<compile_context>
chip_gen: v7x
topology: tpu7x:2x2x1
jax: 0.10.2.dev20260603
libtpu: 0.0.44.dev20260713+nightly
codegen_flags: <defaults>
</compile_context>

<pallas_src>
import functools

import jax
import jax.numpy as jnp
from jax import lax
from jax.experimental import pallas as pl
from jax.experimental.pallas import tpu as pltpu
from jax.experimental.pallas import tpu_sc as plsc

N_NODES = 10000
N_EDGES = 320000
D = 128

NC, NS = 2, 16
NW = NC * NS
BLK = 128
NBLOCKS = N_EDGES // BLK
SLOTS = 79
NBUF = 3
N_PAD = 10112
RPT = N_PAD // NS


def _sc_segment_sum(edge_attr, edge_index):
    mesh = plsc.VectorSubcoreMesh(core_axis_name="c", subcore_axis_name="s")

    @functools.partial(
        pl.kernel,
        out_type=jax.ShapeDtypeStruct((NC, N_PAD, D), jnp.float32),
        mesh=mesh,
        scratch_types=[
            pltpu.VMEM_SHARED((N_PAD, D), jnp.float32),
            pltpu.VMEM((BLK, D), jnp.float32),
            pltpu.VMEM((BLK, D), jnp.float32),
            pltpu.VMEM((BLK, D), jnp.float32),
            pltpu.VMEM((1, BLK), jnp.int32),
            pltpu.VMEM((1, BLK), jnp.int32),
            pltpu.VMEM((1, BLK), jnp.int32),
            pltpu.SemaphoreType.DMA,
            pltpu.SemaphoreType.DMA,
            pltpu.SemaphoreType.DMA,
        ],
    )
    def sc_kernel(
        e_hbm, i_hbm, o_hbm, acc,
        ebuf0, ebuf1, ebuf2,
        ibuf0, ibuf1, ibuf2,
        sem0, sem1, sem2,
    ):
        cid = lax.axis_index("c")
        sid = lax.axis_index("s")
        wid = sid * NC + cid
        base_blk = wid * SLOTS

        bufs = (
            (ebuf1, ibuf1, sem1),
            (ebuf2, ibuf2, sem2),
            (ebuf0, ibuf0, sem0),
        )

        def start(slot, ebuf, ibuf, sem):
            g = base_blk + slot

            @pl.when(jnp.logical_and(slot < SLOTS, g < NBLOCKS))
            def _():
                pltpu.async_copy(e_hbm.at[pl.ds(g * BLK, BLK)], ebuf, sem)
                pltpu.async_copy(
                    i_hbm.at[pl.ds(0, 1), pl.ds(g * BLK, BLK)], ibuf, sem
                )

        def finish(slot, ebuf, ibuf, sem):
            g = base_blk + slot

            @pl.when(g < NBLOCKS)
            def _():
                pltpu.make_async_copy(e_hbm.at[pl.ds(0, BLK)], ebuf, sem).wait()
                pltpu.make_async_copy(
                    i_hbm.at[pl.ds(0, 1), pl.ds(0, BLK)], ibuf, sem
                ).wait()
                pltpu.sync_copy(ebuf, acc.at[ibuf.at[0]], add=True)

        start(0, *bufs[0])
        start(1, *bufs[1])

        @pl.loop(0, BLK)
        def _(r):
            @pl.loop(0, D, step=16)
            def _(j):
                ebuf0[r, pl.ds(j, 16)] = jnp.zeros((16,), jnp.float32)

        @pl.loop(0, RPT - BLK + 1, step=BLK)
        def _(r0):
            pltpu.sync_copy(ebuf0, acc.at[pl.ds(sid * RPT + r0, BLK)])

        pltpu.sync_copy(
            ebuf0.at[pl.ds(0, RPT - 4 * BLK)],
            acc.at[pl.ds(sid * RPT + 4 * BLK, RPT - 4 * BLK)],
        )

        plsc.subcore_barrier()

        start(2, *bufs[2])

        @pl.loop(0, SLOTS - 1, step=NBUF)
        def _(s0):
            for b in range(NBUF):
                slot = s0 + b
                finish(slot, *bufs[b])
                start(slot + NBUF, *bufs[b])

        finish(SLOTS - 1, *bufs[(SLOTS - 1) % NBUF])

        plsc.subcore_barrier()

        pltpu.sync_copy(
            acc.at[pl.ds(sid * RPT, RPT)], o_hbm.at[cid, pl.ds(sid * RPT, RPT)]
        )

    return sc_kernel(edge_attr, edge_index)


BR = 10000


def _tc_mlp(x, partials, W1a, W1b, W2, b1, b2):

    def body(x_ref, p_ref, w1a_ref, w1b_ref, w2_ref, b1_ref, b2_ref, o_ref):
        aggr = p_ref[0] + p_ref[1]
        h = (
            jnp.dot(x_ref[...], w1a_ref[...], preferred_element_type=jnp.float32)
            + jnp.dot(aggr, w1b_ref[...], preferred_element_type=jnp.float32)
            + b1_ref[...]
        )
        h = jnp.maximum(h, 0.0)
        o_ref[...] = (
            jnp.dot(h, w2_ref[...], preferred_element_type=jnp.float32) + b2_ref[...]
        )

    return pl.pallas_call(
        body,
        grid=(N_NODES // BR,),
        in_specs=[
            pl.BlockSpec((BR, D), lambda i: (i, 0)),
            pl.BlockSpec((NC, BR, D), lambda i: (0, i, 0)),
            pl.BlockSpec((D, D), lambda i: (0, 0)),
            pl.BlockSpec((D, D), lambda i: (0, 0)),
            pl.BlockSpec((D, D), lambda i: (0, 0)),
            pl.BlockSpec((1, D), lambda i: (0, 0)),
            pl.BlockSpec((1, D), lambda i: (0, 0)),
        ],
        out_specs=pl.BlockSpec((BR, D), lambda i: (i, 0)),
        out_shape=jax.ShapeDtypeStruct((N_NODES, D), jnp.float32),
    )(x, partials, W1a, W1b, W2, b1, b2)


def kernel(x, edge_index, edge_attr, u, batch, W1, b1, W2, b2):
    partials = _sc_segment_sum(edge_attr, edge_index.astype(jnp.int32))
    return _tc_mlp(
        x, partials, W1[:D], W1[D:], W2, b1.reshape(1, D), b2.reshape(1, D)
    )

# --- scband reference (transcript-rebuilt; emitter-appended) ---
"""Pipeline reference for scband-node-model-7713761264052 (READ-ONLY COPY).

The authoritative reference and input builder live on the scoring server;
editing this copy changes nothing except your own understanding.
"""

import jax, jax.numpy as jnp
import numpy as np

N_NODES = 10000
N_EDGES = 320000
D_FEAT = 128
D_OUT = 128
D_IN_MLP = D_FEAT + D_FEAT  # edge_indim + node_indim
D_HID = 128


def setup_inputs(seed: int = 0) -> dict:
    key = jax.random.key(seed)
    k1, k2, k3, k4, k5, k6, k7 = jax.random.split(key, 7)
    x = jax.random.normal(k1, (N_NODES, D_FEAT), dtype=jnp.float32)
    edge_index = jax.random.randint(k2, (2, N_EDGES), 0, N_NODES, dtype=jnp.int64)
    edge_attr = jax.random.normal(k3, (N_EDGES, D_FEAT), dtype=jnp.float32)
    u = jax.random.normal(k4, (1, D_FEAT), dtype=jnp.float32)
    batch = jnp.zeros((N_NODES,), dtype=jnp.int64)
    # MLP params: Linear(D_IN_MLP -> D_HID), ReLU, Linear(D_HID -> D_OUT)
    W1 = jax.random.normal(k5, (D_IN_MLP, D_HID), dtype=jnp.float32) * (1.0 / np.sqrt(D_IN_MLP))
    b1 = jnp.zeros((D_HID,), dtype=jnp.float32)
    W2 = jax.random.normal(k6, (D_HID, D_OUT), dtype=jnp.float32) * (1.0 / np.sqrt(D_HID))
    b2 = jnp.zeros((D_OUT,), dtype=jnp.float32)
    return {"x": x, "edge_index": edge_index, "edge_attr": edge_attr, "u": u, "batch": batch, "W1": W1, "b1": b1, "W2": W2, "b2": b2}


def reference(x, edge_index, edge_attr, u, batch, W1, b1, W2, b2):
    row = edge_index[0]
    # scatter-add of edge_attr into a zeros(x.shape) buffer, indexed by row (dst node)
    aggr_msg = jax.ops.segment_sum(edge_attr, row, num_segments=x.shape[0])
    h = jnp.concatenate([x, aggr_msg], axis=-1)
    h = jax.nn.relu(h @ W1 + b1)
    out = h @ W2 + b2
    return out

if __name__ == "__main__":
    import jax
    _d = setup_inputs()
    print(jax.jit(kernel)(*tuple(_d.values())))

</pallas_src>

<mosaic_0001>
#map = affine_map<(d0, d1) -> (0, 0)>
#map1 = affine_map<(d0, d1) -> (0, 0, 0)>
module attributes {stable_mosaic.version = 14 : i64} {
  func.func @sc_kernel(%arg0: i32, %arg1: i32, %arg2: memref<320000x128xf32, #tpu.memory_space<hbm>>, %arg3: memref<2x320000xi32, #tpu.memory_space<hbm>>, %arg4: memref<2x10112x128xf32, #tpu.memory_space<hbm>>, %arg5: memref<10112x128xf32, #tpu.memory_space<vmem_shared>>, %arg6: memref<128x128xf32, #tpu.memory_space<vmem>>, %arg7: memref<128x128xf32, #tpu.memory_space<vmem>>, %arg8: memref<128x128xf32, #tpu.memory_space<vmem>>, %arg9: memref<1x128xi32, #tpu.memory_space<vmem>>, %arg10: memref<1x128xi32, #tpu.memory_space<vmem>>, %arg11: memref<1x128xi32, #tpu.memory_space<vmem>>, %arg12: memref<!tpu.dma_semaphore, #tpu.memory_space<semaphore_mem>>, %arg13: memref<!tpu.dma_semaphore, #tpu.memory_space<semaphore_mem>>, %arg14: memref<!tpu.dma_semaphore, #tpu.memory_space<semaphore_mem>>) attributes {dimension_semantics = [#tpu.dimension_semantics<core_parallel>, #tpu.dimension_semantics<subcore_parallel>], iteration_bounds = array<i64: 2, 16>, scalar_prefetch = 0 : i64, scratch_operands = 10 : i64, tpu.core_type = #tpu.core_type<sc_vector_subcore>, window_params = [{transform_indices = #map}, {transform_indices = #map}, {transform_indices = #map1}]} {
    %mul3A = arith.constant 2 : i32
    %mul3A_0 = arith.muli %arg1, %mul3A : i32
    %add3A = arith.addi %mul3A_0, %arg0 : i32
    %mul3A_1 = arith.constant 79 : i32
    %mul3A_2 = arith.muli %add3A, %mul3A_1 : i32
    %add3A_3 = arith.constant 0 : i32
    %add3A_4 = arith.addi %mul3A_2, %add3A_3 : i32
    %lt3A = arith.constant 2500 : i32
    %lt3A_5 = arith.cmpi slt, %add3A_4, %lt3A : i32
    %and3A = arith.constant true
    %and3A_6 = arith.andi %and3A, %lt3A_5 : i1
    %convert_element_type3A = arith.extui %and3A_6 : i1 to i32
    %cond3A = arith.constant 0 : i32
    %cond3A_7 = arith.cmpi ne, %convert_element_type3A, %cond3A : i32
    scf.if %cond3A_7 {
      %mul3A_56 = arith.constant 128 : i32
      %mul3A_57 = arith.muli %add3A_4, %mul3A_56 : i32
      %dma_start3A = arith.constant 0 : i32
      %dma_start3A_58 = tpu.memref_slice %arg2[%mul3A_57, %dma_start3A] : memref<320000x128xf32, #tpu.memory_space<hbm>> -> memref<128x128xf32, #tpu.memory_space<hbm>>
      %dma_start3A_59 = arith.constant 0 : i32
      %dma_start3A_60 = tpu.memref_slice %arg2[%mul3A_57, %dma_start3A_59] : memref<320000x128xf32, #tpu.memory_space<hbm>> -> memref<128x128xf32, #tpu.memory_space<hbm>>
      tpu.enqueue_dma source(%dma_start3A_60 : memref<128x128xf32, #tpu.memory_space<hbm>>) target(%arg7 : memref<128x128xf32, #tpu.memory_space<vmem>>) target_semaphore(%arg13 : memref<!tpu.dma_semaphore, #tpu.memory_space<semaphore_mem>>)
      %mul3A_61 = arith.constant 128 : i32
      %mul3A_62 = arith.muli %add3A_4, %mul3A_61 : i32
      %dma_start3A_63 = arith.constant 0 : i32
      %dma_start3A_64 = tpu.memref_slice %arg3[%dma_start3A_63, %mul3A_62] : memref<2x320000xi32, #tpu.memory_space<hbm>> -> memref<1x128xi32, #tpu.memory_space<hbm>>
      %dma_start3A_65 = arith.constant 0 : i32
      %dma_start3A_66 = tpu.memref_slice %arg3[%dma_start3A_65, %mul3A_62] : memref<2x320000xi32, #tpu.memory_space<hbm>> -> memref<1x128xi32, #tpu.memory_space<hbm>>
      tpu.enqueue_dma source(%dma_start3A_66 : memref<1x128xi32, #tpu.memory_space<hbm>>) target(%arg10 : memref<1x128xi32, #tpu.memory_space<vmem>>) target_semaphore(%arg13 : memref<!tpu.dma_semaphore, #tpu.memory_space<semaphore_mem>>)
    } else {
    }
    %add3A_8 = arith.constant 1 : i32
    %add3A_9 = arith.addi %mul3A_2, %add3A_8 : i32
    %lt3A_10 = arith.constant 2500 : i32
    %lt3A_11 = arith.cmpi slt, %add3A_9, %lt3A_10 : i32
    %and3A_12 = arith.constant true
    %and3A_13 = arith.andi %and3A_12, %lt3A_11 : i1
    %convert_element_type3A_14 = arith.extui %and3A_13 : i1 to i32
    %cond3A_15 = arith.constant 0 : i32
    %cond3A_16 = arith.cmpi ne, %convert_element_type3A_14, %cond3A_15 : i32
    scf.if %cond3A_16 {
      %mul3A_56 = arith.constant 128 : i32
      %mul3A_57 = arith.muli %add3A_9, %mul3A_56 : i32
      %dma_start3A = arith.constant 0 : i32
      %dma_start3A_58 = tpu.memref_slice %arg2[%mul3A_57, %dma_start3A] : memref<320000x128xf32, #tpu.memory_space<hbm>> -> memref<128x128xf32, #tpu.memory_space<hbm>>
      %dma_start3A_59 = arith.constant 0 : i32
      %dma_start3A_60 = tpu.memref_slice %arg2[%mul3A_57, %dma_start3A_59] : memref<320000x128xf32, #tpu.memory_space<hbm>> -> memref<128x128xf32, #tpu.memory_space<hbm>>
      tpu.enqueue_dma source(%dma_start3A_60 : memref<128x128xf32, #tpu.memory_space<hbm>>) target(%arg8 : memref<128x128xf32, #tpu.memory_space<vmem>>) target_semaphore(%arg14 : memref<!tpu.dma_semaphore, #tpu.memory_space<semaphore_mem>>)
      %mul3A_61 = arith.constant 128 : i32
      %mul3A_62 = arith.muli %add3A_9, %mul3A_61 : i32
      %dma_start3A_63 = arith.constant 0 : i32
      %dma_start3A_64 = tpu.memref_slice %arg3[%dma_start3A_63, %mul3A_62] : memref<2x320000xi32, #tpu.memory_space<hbm>> -> memref<1x128xi32, #tpu.memory_space<hbm>>
      %dma_start3A_65 = arith.constant 0 : i32
      %dma_start3A_66 = tpu.memref_slice %arg3[%dma_start3A_65, %mul3A_62] : memref<2x320000xi32, #tpu.memory_space<hbm>> -> memref<1x128xi32, #tpu.memory_space<hbm>>
      tpu.enqueue_dma source(%dma_start3A_66 : memref<1x128xi32, #tpu.memory_space<hbm>>) target(%arg11 : memref<1x128xi32, #tpu.memory_space<vmem>>) target_semaphore(%arg14 : memref<!tpu.dma_semaphore, #tpu.memory_space<semaphore_mem>>)
    } else {
    }
    %scan3A = arith.constant 0 : i32
    %scan3A_17 = arith.constant 128 : i32
    %scan3A_18 = arith.addi %scan3A, %scan3A_17 : i32
    %scan3A_19 = arith.constant 1 : i32
    scf.for %scan3A_56 = %scan3A to %scan3A_18 step %scan3A_19  : i32 {
      %mul3A_57 = arith.constant 1 : i32
      %mul3A_58 = arith.muli %scan3A_56, %mul3A_57 : i32
      %add3A_59 = arith.constant 0 : i32
      %add3A_60 = arith.addi %add3A_59, %mul3A_58 : i32
      %scan3A_61 = arith.constant 0 : i32
      %scan3A_62 = arith.constant 8 : i32
      %scan3A_63 = arith.addi %scan3A_61, %scan3A_62 : i32
      %scan3A_64 = arith.constant 1 : i32
      scf.for %scan3A_66 = %scan3A_61 to %scan3A_63 step %scan3A_64  : i32 {
        %mul3A_67 = arith.constant 16 : i32
        %mul3A_68 = arith.muli %scan3A_66, %mul3A_67 : i32
        %add3A_69 = arith.constant 0 : i32
        %add3A_70 = arith.addi %add3A_69, %mul3A_68 : i32
        %broadcast_in_dim3A = arith.constant 0.000000e+00 : f32
        %broadcast_in_dim3A_71 = vector.broadcast %broadcast_in_dim3A : f32 to vector<16xf32>
        %swap3A = arith.index_cast %add3A_60 : i32 to index
        %swap3A_72 = arith.index_cast %add3A_70 : i32 to index
        %swap3A_73 = tpu.vector_load %arg6[%swap3A, %swap3A_72] {strides = array<i32>} : memref<128x128xf32, #tpu.memory_space<vmem>>, vector<1x16xf32>,
        %swap3A_74 = vector.shape_cast %swap3A_73 : vector<1x16xf32> to vector<16xf32>
        %swap3A_75 = vector.shape_cast %broadcast_in_dim3A_71 : vector<16xf32> to vector<1x16xf32>
        tpu.vector_store %arg6[%swap3A, %swap3A_72], %swap3A_75 {strides = array<i32>} : memref<128x128xf32, #tpu.memory_space<vmem>>, vector<1x16xf32>,
      }
      %scan3A_65 = arith.constant 8 : i32
    }
    %scan3A_20 = arith.constant 128 : i32
    %scan3A_21 = arith.constant 0 : i32
    %scan3A_22 = arith.constant 4 : i32
    %scan3A_23 = arith.addi %scan3A_21, %scan3A_22 : i32
    %scan3A_24 = arith.constant 1 : i32
    scf.for %scan3A_56 = %scan3A_21 to %scan3A_23 step %scan3A_24  : i32 {
      %mul3A_57 = arith.constant 128 : i32
      %mul3A_58 = arith.muli %scan3A_56, %mul3A_57 : i32
      %add3A_59 = arith.constant 0 : i32
      %add3A_60 = arith.addi %add3A_59, %mul3A_58 : i32
      %mul3A_61 = arith.constant 632 : i32
      %mul3A_62 = arith.muli %arg1, %mul3A_61 : i32
      %add3A_63 = arith.addi %mul3A_62, %add3A_60 : i32
      "tpu.region"() ({
        %run_scoped3A = tpu.sem_alloc : memref<!tpu.dma_semaphore, #tpu.memory_space<semaphore_mem>>
        %dma_start3A = arith.constant 0 : i32
        %dma_start3A_64 = tpu.memref_slice %arg5[%add3A_63, %dma_start3A] : memref<10112x128xf32, #tpu.memory_space<vmem_shared>> -> memref<128x128xf32, #tpu.memory_space<vmem_shared>>
        %dma_start3A_65 = arith.constant 0 : i32
        %dma_start3A_66 = tpu.memref_slice %arg5[%add3A_63, %dma_start3A_65] : memref<10112x128xf32, #tpu.memory_space<vmem_shared>> -> memref<128x128xf32, #tpu.memory_space<vmem_shared>>
        tpu.enqueue_dma source(%arg6 : memref<128x128xf32, #tpu.memory_space<vmem>>) target(%dma_start3A_66 : memref<128x128xf32, #tpu.memory_space<vmem_shared>>) target_semaphore(%run_scoped3A : memref<!tpu.dma_semaphore, #tpu.memory_space<semaphore_mem>>)
        %dma_wait3A = arith.constant 0 : i32
        %dma_wait3A_67 = tpu.memref_slice %arg5[%add3A_63, %dma_wait3A] : memref<10112x128xf32, #tpu.memory_space<vmem_shared>> -> memref<128x128xf32, #tpu.memory_space<vmem_shared>>
        %dma_wait3A_68 = arith.constant 0 : i32
        %dma_wait3A_69 = tpu.memref_slice %arg5[%add3A_63, %dma_wait3A_68] : memref<10112x128xf32, #tpu.memory_space<vmem_shared>> -> memref<128x128xf32, #tpu.memory_space<vmem_shared>>
        tpu.wait_dma2 semaphore(%run_scoped3A : memref<!tpu.dma_semaphore, #tpu.memory_space<semaphore_mem>>) src(%arg6 : memref<128x128xf32, #tpu.memory_space<vmem>>) dst(%dma_wait3A_69 : memref<128x128xf32, #tpu.memory_space<vmem_shared>>)
        tpu.yield
      }) : () -> ()
    }
    %scan3A_25 = arith.constant 4 : i32
    %mul3A_26 = arith.constant 632 : i32
    %mul3A_27 = arith.muli %arg1, %mul3A_26 : i32
    %add3A_28 = arith.constant 512 : i32
    %add3A_29 = arith.addi %mul3A_27, %add3A_28 : i32
    "tpu.region"() ({
      %run_scoped3A = tpu.sem_alloc : memref<!tpu.dma_semaphore, #tpu.memory_space<semaphore_mem>>
      %dma_start3A = arith.constant 0 : i32
      %dma_start3A_56 = arith.constant 0 : i32
      %dma_start3A_57 = tpu.memref_slice %arg6[%dma_start3A, %dma_start3A_56] : memref<128x128xf32, #tpu.memory_space<vmem>> -> memref<120x128xf32, #tpu.memory_space<vmem>>
      %dma_start3A_58 = arith.constant 0 : i32
      %dma_start3A_59 = tpu.memref_slice %arg5[%add3A_29, %dma_start3A_58] : memref<10112x128xf32, #tpu.memory_space<vmem_shared>> -> memref<120x128xf32, #tpu.memory_space<vmem_shared>>
      %dma_start3A_60 = arith.constant 0 : i32
      %dma_start3A_61 = tpu.memref_slice %arg5[%add3A_29, %dma_start3A_60] : memref<10112x128xf32, #tpu.memory_space<vmem_shared>> -> memref<120x128xf32, #tpu.memory_space<vmem_shared>>
      %dma_start3A_62 = arith.constant 0 : i32
      %dma_start3A_63 = arith.constant 0 : i32
      %dma_start3A_64 = tpu.memref_slice %arg6[%dma_start3A_62, %dma_start3A_63] : memref<128x128xf32, #tpu.memory_space<vmem>> -> memref<120x128xf32, #tpu.memory_space<vmem>>
      tpu.enqueue_dma source(%dma_start3A_64 : memref<120x128xf32, #tpu.memory_space<vmem>>) target(%dma_start3A_61 : memref<120x128xf32, #tpu.memory_space<vmem_shared>>) target_semaphore(%run_scoped3A : memref<!tpu.dma_semaphore, #tpu.memory_space<semaphore_mem>>)
      %dma_wait3A = arith.constant 0 : i32
      %dma_wait3A_65 = arith.constant 0 : i32
      %dma_wait3A_66 = tpu.memref_slice %arg6[%dma_wait3A, %dma_wait3A_65] : memref<128x128xf32, #tpu.memory_space<vmem>> -> memref<120x128xf32, #tpu.memory_space<vmem>>
      %dma_wait3A_67 = arith.constant 0 : i32
      %dma_wait3A_68 = tpu.memref_slice %arg5[%add3A_29, %dma_wait3A_67] : memref<10112x128xf32, #tpu.memory_space<vmem_shared>> -> memref<120x128xf32, #tpu.memory_space<vmem_shared>>
      %dma_wait3A_69 = arith.constant 0 : i32
      %dma_wait3A_70 = tpu.memref_slice %arg5[%add3A_29, %dma_wait3A_69] : memref<10112x128xf32, #tpu.memory_space<vmem_shared>> -> memref<120x128xf32, #tpu.memory_space<vmem_shared>>
      %dma_wait3A_71 = arith.constant 0 : i32
      %dma_wait3A_72 = arith.constant 0 : i32
      %dma_wait3A_73 = tpu.memref_slice %arg6[%dma_wait3A_71, %dma_wait3A_72] : memref<128x128xf32, #tpu.memory_space<vmem>> -> memref<120x128xf32, #tpu.memory_space<vmem>>
      tpu.wait_dma2 semaphore(%run_scoped3A : memref<!tpu.dma_semaphore, #tpu.memory_space<semaphore_mem>>) src(%dma_wait3A_73 : memref<120x128xf32, #tpu.memory_space<vmem>>) dst(%dma_wait3A_70 : memref<120x128xf32, #tpu.memory_space<vmem_shared>>)
      tpu.yield
    }) : () -> ()
    %barrier3A = arith.constant 0 : index
    tpu.barrier barrier_id(%barrier3A)
    %add3A_30 = arith.constant 2 : i32
    %add3A_31 = arith.addi %mul3A_2, %add3A_30 : i32
    %lt3A_32 = arith.constant 2500 : i32
    %lt3A_33 = arith.cmpi slt, %add3A_31, %lt3A_32 : i32
    %and3A_34 = arith.constant true
    %and3A_35 = arith.andi %and3A_34, %lt3A_33 : i1
    %convert_element_type3A_36 = arith.extui %and3A_35 : i1 to i32
    %cond3A_37 = arith.constant 0 : i32
    %cond3A_38 = arith.cmpi ne, %convert_element_type3A_36, %cond3A_37 : i32
    scf.if %cond3A_38 {
      %mul3A_56 = arith.constant 128 : i32
      %mul3A_57 = arith.muli %add3A_31, %mul3A_56 : i32
      %dma_start3A = arith.constant 0 : i32
      %dma_start3A_58 = tpu.memref_slice %arg2[%mul3A_57, %dma_start3A] : memref<320000x128xf32, #tpu.memory_space<hbm>> -> memref<128x128xf32, #tpu.memory_space<hbm>>
      %dma_start3A_59 = arith.constant 0 : i32
      %dma_start3A_60 = tpu.memref_slice %arg2[%mul3A_57, %dma_start3A_59] : memref<320000x128xf32, #tpu.memory_space<hbm>> -> memref<128x128xf32, #tpu.memory_space<hbm>>
      tpu.enqueue_dma source(%dma_start3A_60 : memref<128x128xf32, #tpu.memory_space<hbm>>) target(%arg6 : memref<128x128xf32, #tpu.memory_space<vmem>>) target_semaphore(%arg12 : memref<!tpu.dma_semaphore, #tpu.memory_space<semaphore_mem>>)
      %mul3A_61 = arith.constant 128 : i32
      %mul3A_62 = arith.muli %add3A_31, %mul3A_61 : i32
      %dma_start3A_63 = arith.constant 0 : i32
      %dma_start3A_64 = tpu.memref_slice %arg3[%dma_start3A_63, %mul3A_62] : memref<2x320000xi32, #tpu.memory_space<hbm>> -> memref<1x128xi32, #tpu.memory_space<hbm>>
      %dma_start3A_65 = arith.constant 0 : i32
      %dma_start3A_66 = tpu.memref_slice %arg3[%dma_start3A_65, %mul3A_62] : memref<2x320000xi32, #tpu.memory_space<hbm>> -> memref<1x128xi32, #tpu.memory_space<hbm>>
      tpu.enqueue_dma source(%dma_start3A_66 : memref<1x128xi32, #tpu.memory_space<hbm>>) target(%arg9 : memref<1x128xi32, #tpu.memory_space<vmem>>) target_semaphore(%arg12 : memref<!tpu.dma_semaphore, #tpu.memory_space<semaphore_mem>>)
    } else {
    }
    %scan3A_39 = arith.constant 0 : i32
    %scan3A_40 = arith.constant 26 : i32
    %scan3A_41 = arith.addi %scan3A_39, %scan3A_40 : i32
    %scan3A_42 = arith.constant 1 : i32
    scf.for %scan3A_56 = %scan3A_39 to %scan3A_41 step %scan3A_42  : i32 {
      %mul3A_57 = arith.constant 3 : i32
      %mul3A_58 = arith.muli %scan3A_56, %mul3A_57 : i32
      %add3A_59 = arith.constant 0 : i32
      %add3A_60 = arith.addi %add3A_59, %mul3A_58 : i32
      %add3A_61 = arith.constant 0 : i32
      %add3A_62 = arith.addi %add3A_60, %add3A_61 : i32
      %add3A_63 = arith.addi %mul3A_2, %add3A_62 : i32
      %lt3A_64 = arith.constant 2500 : i32
      %lt3A_65 = arith.cmpi slt, %add3A_63, %lt3A_64 : i32
      %convert_element_type3A_66 = arith.extui %lt3A_65 : i1 to i32
      %cond3A_67 = arith.constant 0 : i32
      %cond3A_68 = arith.cmpi ne, %convert_element_type3A_66, %cond3A_67 : i32
      scf.if %cond3A_68 {
        %dma_wait3A = arith.constant 0 : i32
        %dma_wait3A_118 = arith.constant 0 : i32
        %dma_wait3A_119 = tpu.memref_slice %arg2[%dma_wait3A, %dma_wait3A_118] : memref<320000x128xf32, #tpu.memory_space<hbm>> -> memref<128x128xf32, #tpu.memory_space<hbm>>
        %dma_wait3A_120 = arith.constant 0 : i32
        %dma_wait3A_121 = arith.constant 0 : i32
        %dma_wait3A_122 = tpu.memref_slice %arg2[%dma_wait3A_120, %dma_wait3A_121] : memref<320000x128xf32, #tpu.memory_space<hbm>> -> memref<128x128xf32, #tpu.memory_space<hbm>>
        tpu.wait_dma2 semaphore(%arg13 : memref<!tpu.dma_semaphore, #tpu.memory_space<semaphore_mem>>) src(%dma_wait3A_122 : memref<128x128xf32, #tpu.memory_space<hbm>>) dst(%arg7 : memref<128x128xf32, #tpu.memory_space<vmem>>)
        %dma_wait3A_123 = arith.constant 0 : i32
        %dma_wait3A_124 = arith.constant 0 : i32
        %dma_wait3A_125 = tpu.memref_slice %arg3[%dma_wait3A_123, %dma_wait3A_124] : memref<2x320000xi32, #tpu.memory_space<hbm>> -> memref<1x128xi32, #tpu.memory_space<hbm>>
        %dma_wait3A_126 = arith.constant 0 : i32
        %dma_wait3A_127 = arith.constant 0 : i32
        %dma_wait3A_128 = tpu.memref_slice %arg3[%dma_wait3A_126, %dma_wait3A_127] : memref<2x320000xi32, #tpu.memory_space<hbm>> -> memref<1x128xi32, #tpu.memory_space<hbm>>
        tpu.wait_dma2 semaphore(%arg13 : memref<!tpu.dma_semaphore, #tpu.memory_space<semaphore_mem>>) src(%dma_wait3A_128 : memref<1x128xi32, #tpu.memory_space<hbm>>) dst(%arg10 : memref<1x128xi32, #tpu.memory_space<vmem>>)
        %run_scoped3A = arith.constant 0 : i32
        "tpu.region"() ({
          %run_scoped3A_129 = tpu.sem_alloc : memref<!tpu.dma_semaphore, #tpu.memory_space<semaphore_mem>>
          %dma_start3A = arith.constant 0 : i32
          %dma_start3A_130 = tpu.memref_slice %arg10[%run_scoped3A, %dma_start3A] : memref<1x128xi32, #tpu.memory_space<vmem>> -> memref<1x128xi32, #tpu.memory_space<vmem>>
          %dma_start3A_131 = tpu.memref_squeeze %dma_start3A_130 : memref<1x128xi32, #tpu.memory_space<vmem>> -> memref<128xi32, #tpu.memory_space<vmem>>
          %dma_start3A_132 = arith.constant 0 : i32
          %dma_start3A_133 = arith.constant 0 : i32
          %dma_start3A_134 = tpu.memref_slice %arg5[%dma_start3A_132, %dma_start3A_133] : memref<10112x128xf32, #tpu.memory_space<vmem_shared>> -> memref<10112x128xf32, #tpu.memory_space<vmem_shared>>
          tpu.enqueue_indirect_dma source(%arg7 : memref<128x128xf32, #tpu.memory_space<vmem>>) target(%dma_start3A_134 : memref<10112x128xf32, #tpu.memory_space<vmem_shared>>) offsets(%dma_start3A_131 : memref<128xi32, #tpu.memory_space<vmem>>) semaphore(%run_scoped3A_129 : memref<!tpu.dma_semaphore, #tpu.memory_space<semaphore_mem>>) {add = true}
          %dma_wait3A_135 = arith.constant 0 : i32
          %dma_wait3A_136 = tpu.memref_slice %arg10[%run_scoped3A, %dma_wait3A_135] : memref<1x128xi32, #tpu.memory_space<vmem>> -> memref<1x128xi32, #tpu.memory_space<vmem>>
          %dma_wait3A_137 = tpu.memref_squeeze %dma_wait3A_136 : memref<1x128xi32, #tpu.memory_space<vmem>> -> memref<128xi32, #tpu.memory_space<vmem>>
          %dma_wait3A_138 = arith.constant 0 : i32
          %dma_wait3A_139 = arith.constant 0 : i32
          %dma_wait3A_140 = tpu.memref_slice %arg5[%dma_wait3A_138, %dma_wait3A_139] : memref<10112x128xf32, #tpu.memory_space<vmem_shared>> -> memref<10112x128xf32, #tpu.memory_space<vmem_shared>>
          tpu.wait_indirect_dma semaphore(%run_scoped3A_129 : memref<!tpu.dma_semaphore, #tpu.memory_space<semaphore_mem>>) src(%arg7 : memref<128x128xf32, #tpu.memory_space<vmem>>) dst(%dma_wait3A_140 : memref<10112x128xf32, #tpu.memory_space<vmem_shared>>)
          tpu.yield
        }) : () -> ()
      } else {
      }
      %add3A_69 = arith.constant 3 : i32
      %add3A_70 = arith.addi %add3A_62, %add3A_69 : i32
      %add3A_71 = arith.addi %mul3A_2, %add3A_70 : i32
      %lt3A_72 = arith.constant 79 : i32
      %lt3A_73 = arith.cmpi slt, %add3A_70, %lt3A_72 : i32
      %lt3A_74 = arith.constant 2500 : i32
      %lt3A_75 = arith.cmpi slt, %add3A_71, %lt3A_74 : i32
      %and3A_76 = arith.andi %lt3A_73, %lt3A_75 : i1
      %convert_element_type3A_77 = arith.extui %and3A_76 : i1 to i32
      %cond3A_78 = arith.constant 0 : i32
      %cond3A_79 = arith.cmpi ne, %convert_element_type3A_77, %cond3A_78 : i32
      scf.if %cond3A_79 {
        %mul3A_118 = arith.constant 128 : i32
        %mul3A_119 = arith.muli %add3A_71, %mul3A_118 : i32
        %dma_start3A = arith.constant 0 : i32
        %dma_start3A_120 = tpu.memref_slice %arg2[%mul3A_119, %dma_start3A] : memref<320000x128xf32, #tpu.memory_space<hbm>> -> memref<128x128xf32, #tpu.memory_space<hbm>>
        %dma_start3A_121 = arith.constant 0 : i32
        %dma_start3A_122 = tpu.memref_slice %arg2[%mul3A_119, %dma_start3A_121] : memref<320000x128xf32, #tpu.memory_space<hbm>> -> memref<128x128xf32, #tpu.memory_space<hbm>>
        tpu.enqueue_dma source(%dma_start3A_122 : memref<128x128xf32, #tpu.memory_space<hbm>>) target(%arg7 : memref<128x128xf32, #tpu.memory_space<vmem>>) target_semaphore(%arg13 : memref<!tpu.dma_semaphore, #tpu.memory_space<semaphore_mem>>)
        %mul3A_123 = arith.constant 128 : i32
        %mul3A_124 = arith.muli %add3A_71, %mul3A_123 : i32
        %dma_start3A_125 = arith.constant 0 : i32
        %dma_start3A_126 = tpu.memref_slice %arg3[%dma_start3A_125, %mul3A_124] : memref<2x320000xi32, #tpu.memory_space<hbm>> -> memref<1x128xi32, #tpu.memory_space<hbm>>
        %dma_start3A_127 = arith.constant 0 : i32
        %dma_start3A_128 = tpu.memref_slice %arg3[%dma_start3A_127, %mul3A_124] : memref<2x320000xi32, #tpu.memory_space<hbm>> -> memref<1x128xi32, #tpu.memory_space<hbm>>
        tpu.enqueue_dma source(%dma_start3A_128 : memref<1x128xi32, #tpu.memory_space<hbm>>) target(%arg10 : memref<1x128xi32, #tpu.memory_space<vmem>>) target_semaphore(%arg13 : memref<!tpu.dma_semaphore, #tpu.memory_space<semaphore_mem>>)
      } else {
      }
      %add3A_80 = arith.constant 1 : i32
      %add3A_81 = arith.addi %add3A_60, %add3A_80 : i32
      %add3A_82 = arith.addi %mul3A_2, %add3A_81 : i32
      %lt3A_83 = arith.constant 2500 : i32
      %lt3A_84 = arith.cmpi slt, %add3A_82, %lt3A_83 : i32
      %convert_element_type3A_85 = arith.extui %lt3A_84 : i1 to i32
      %cond3A_86 = arith.constant 0 : i32
      %cond3A_87 = arith.cmpi ne, %convert_element_type3A_85, %cond3A_86 : i32
      scf.if %cond3A_87 {
        %dma_wait3A = arith.constant 0 : i32
        %dma_wait3A_118 = arith.constant 0 : i32
        %dma_wait3A_119 = tpu.memref_slice %arg2[%dma_wait3A, %dma_wait3A_118] : memref<320000x128xf32, #tpu.memory_space<hbm>> -> memref<128x128xf32, #tpu.memory_space<hbm>>
        %dma_wait3A_120 = arith.constant 0 : i32
        %dma_wait3A_121 = arith.constant 0 : i32
        %dma_wait3A_122 = tpu.memref_slice %arg2[%dma_wait3A_120, %dma_wait3A_121] : memref<320000x128xf32, #tpu.memory_space<hbm>> -> memref<128x128xf32, #tpu.memory_space<hbm>>
        tpu.wait_dma2 semaphore(%arg14 : memref<!tpu.dma_semaphore, #tpu.memory_space<semaphore_mem>>) src(%dma_wait3A_122 : memref<128x128xf32, #tpu.memory_space<hbm>>) dst(%arg8 : memref<128x128xf32, #tpu.memory_space<vmem>>)
        %dma_wait3A_123 = arith.constant 0 : i32
        %dma_wait3A_124 = arith.constant 0 : i32
        %dma_wait3A_125 = tpu.memref_slice %arg3[%dma_wait3A_123, %dma_wait3A_124] : memref<2x320000xi32, #tpu.memory_space<hbm>> -> memref<1x128xi32, #tpu.memory_space<hbm>>
        %dma_wait3A_126 = arith.constant 0 : i32
        %dma_wait3A_127 = arith.constant 0 : i32
        %dma_wait3A_128 = tpu.memref_slice %arg3[%dma_wait3A_126, %dma_wait3A_127] : memref<2x320000xi32, #tpu.memory_space<hbm>> -> memref<1x128xi32, #tpu.memory_space<hbm>>
        tpu.wait_dma2 semaphore(%arg14 : memref<!tpu.dma_semaphore, #tpu.memory_space<semaphore_mem>>) src(%dma_wait3A_128 : memref<1x128xi32, #tpu.memory_space<hbm>>) dst(%arg11 : memref<1x128xi32, #tpu.memory_space<vmem>>)
        %run_scoped3A = arith.constant 0 : i32
        "tpu.region"() ({
          %run_scoped3A_129 = tpu.sem_alloc : memref<!tpu.dma_semaphore, #tpu.memory_space<semaphore_mem>>
          %dma_start3A = arith.constant 0 : i32
          %dma_start3A_130 = tpu.memref_slice %arg11[%run_scoped3A, %dma_start3A] : memref<1x128xi32, #tpu.memory_space<vmem>> -> memref<1x128xi32, #tpu.memory_space<vmem>>
          %dma_start3A_131 = tpu.memref_squeeze %dma_start3A_130 : memref<1x128xi32, #tpu.memory_space<vmem>> -> memref<128xi32, #tpu.memory_space<vmem>>
          %dma_start3A_132 = arith.constant 0 : i32
          %dma_start3A_133 = arith.constant 0 : i32
          %dma_start3A_134 = tpu.memref_slice %arg5[%dma_start3A_132, %dma_start3A_133] : memref<10112x128xf32, #tpu.memory_space<vmem_shared>> -> memref<10112x128xf32, #tpu.memory_space<vmem_shared>>
          tpu.enqueue_indirect_dma source(%arg8 : memref<128x128xf32, #tpu.memory_space<vmem>>) target(%dma_start3A_134 : memref<10112x128xf32, #tpu.memory_space<vmem_shared>>) offsets(%dma_start3A_131 : memref<128xi32, #tpu.memory_space<vmem>>) semaphore(%run_scoped3A_129 : memref<!tpu.dma_semaphore, #tpu.memory_space<semaphore_mem>>) {add = true}
          %dma_wait3A_135 = arith.constant 0 : i32
          %dma_wait3A_136 = tpu.memref_slice %arg11[%run_scoped3A, %dma_wait3A_135] : memref<1x128xi32, #tpu.memory_space<vmem>> -> memref<1x128xi32, #tpu.memory_space<vmem>>
          %dma_wait3A_137 = tpu.memref_squeeze %dma_wait3A_136 : memref<1x128xi32, #tpu.memory_space<vmem>> -> memref<128xi32, #tpu.memory_space<vmem>>
          %dma_wait3A_138 = arith.constant 0 : i32
          %dma_wait3A_139 = arith.constant 0 : i32
          %dma_wait3A_140 = tpu.memref_slice %arg5[%dma_wait3A_138, %dma_wait3A_139] : memref<10112x128xf32, #tpu.memory_space<vmem_shared>> -> memref<10112x128xf32, #tpu.memory_space<vmem_shared>>
          tpu.wait_indirect_dma semaphore(%run_scoped3A_129 : memref<!tpu.dma_semaphore, #tpu.memory_space<semaphore_mem>>) src(%arg8 : memref<128x128xf32, #tpu.memory_space<vmem>>) dst(%dma_wait3A_140 : memref<10112x128xf32, #tpu.memory_space<vmem_shared>>)
          tpu.yield
        }) : () -> ()
      } else {
      }
      %add3A_88 = arith.constant 3 : i32
      %add3A_89 = arith.addi %add3A_81, %add3A_88 : i32
      %add3A_90 = arith.addi %mul3A_2, %add3A_89 : i32
      %lt3A_91 = arith.constant 79 : i32
      %lt3A_92 = arith.cmpi slt, %add3A_89, %lt3A_91 : i32
      %lt3A_93 = arith.constant 2500 : i32
      %lt3A_94 = arith.cmpi slt, %add3A_90, %lt3A_93 : i32
      %and3A_95 = arith.andi %lt3A_92, %lt3A_94 : i1
      %convert_element_type3A_96 = arith.extui %and3A_95 : i1 to i32
      %cond3A_97 = arith.constant 0 : i32
      %cond3A_98 = arith.cmpi ne, %convert_element_type3A_96, %cond3A_97 : i32
      scf.if %cond3A_98 {
        %mul3A_118 = arith.constant 128 : i32
        %mul3A_119 = arith.muli %add3A_90, %mul3A_118 : i32
        %dma_start3A = arith.constant 0 : i32
        %dma_start3A_120 = tpu.memref_slice %arg2[%mul3A_119, %dma_start3A] : memref<320000x128xf32, #tpu.memory_space<hbm>> -> memref<128x128xf32, #tpu.memory_space<hbm>>
        %dma_start3A_121 = arith.constant 0 : i32
        %dma_start3A_122 = tpu.memref_slice %arg2[%mul3A_119, %dma_start3A_121] : memref<320000x128xf32, #tpu.memory_space<hbm>> -> memref<128x128xf32, #tpu.memory_space<hbm>>
        tpu.enqueue_dma source(%dma_start3A_122 : memref<128x128xf32, #tpu.memory_space<hbm>>) target(%arg8 : memref<128x128xf32, #tpu.memory_space<vmem>>) target_semaphore(%arg14 : memref<!tpu.dma_semaphore, #tpu.memory_space<semaphore_mem>>)
        %mul3A_123 = arith.constant 128 : i32
        %mul3A_124 = arith.muli %add3A_90, %mul3A_123 : i32
        %dma_start3A_125 = arith.constant 0 : i32
        %dma_start3A_126 = tpu.memref_slice %arg3[%dma_start3A_125, %mul3A_124] : memref<2x320000xi32, #tpu.memory_space<hbm>> -> memref<1x128xi32, #tpu.memory_space<hbm>>
        %dma_start3A_127 = arith.constant 0 : i32
        %dma_start3A_128 = tpu.memref_slice %arg3[%dma_start3A_127, %mul3A_124] : memref<2x320000xi32, #tpu.memory_space<hbm>> -> memref<1x128xi32, #tpu.memory_space<hbm>>
        tpu.enqueue_dma source(%dma_start3A_128 : memref<1x128xi32, #tpu.memory_space<hbm>>) target(%arg11 : memref<1x128xi32, #tpu.memory_space<vmem>>) target_semaphore(%arg14 : memref<!tpu.dma_semaphore, #tpu.memory_space<semaphore_mem>>)
      } else {
      }
      %add3A_99 = arith.constant 2 : i32
      %add3A_100 = arith.addi %add3A_60, %add3A_99 : i32
      %add3A_101 = arith.addi %mul3A_2, %add3A_100 : i32
      %lt3A_102 = arith.constant 2500 : i32
      %lt3A_103 = arith.cmpi slt, %add3A_101, %lt3A_102 : i32
      %convert_element_type3A_104 = arith.extui %lt3A_103 : i1 to i32
      %cond3A_105 = arith.constant 0 : i32
      %cond3A_106 = arith.cmpi ne, %convert_element_type3A_104, %cond3A_105 : i32
      scf.if %cond3A_106 {
        %dma_wait3A = arith.constant 0 : i32
        %dma_wait3A_118 = arith.constant 0 : i32
        %dma_wait3A_119 = tpu.memref_slice %arg2[%dma_wait3A, %dma_wait3A_118] : memref<320000x128xf32, #tpu.memory_space<hbm>> -> memref<128x128xf32, #tpu.memory_space<hbm>>
        %dma_wait3A_120 = arith.constant 0 : i32
        %dma_wait3A_121 = arith.constant 0 : i32
        %dma_wait3A_122 = tpu.memref_slice %arg2[%dma_wait3A_120, %dma_wait3A_121] : memref<320000x128xf32, #tpu.memory_space<hbm>> -> memref<128x128xf32, #tpu.memory_space<hbm>>
        tpu.wait_dma2 semaphore(%arg12 : memref<!tpu.dma_semaphore, #tpu.memory_space<semaphore_mem>>) src(%dma_wait3A_122 : memref<128x128xf32, #tpu.memory_space<hbm>>) dst(%arg6 : memref<128x128xf32, #tpu.memory_space<vmem>>)
        %dma_wait3A_123 = arith.constant 0 : i32
        %dma_wait3A_124 = arith.constant 0 : i32
        %dma_wait3A_125 = tpu.memref_slice %arg3[%dma_wait3A_123, %dma_wait3A_124] : memref<2x320000xi32, #tpu.memory_space<hbm>> -> memref<1x128xi32, #tpu.memory_space<hbm>>
        %dma_wait3A_126 = arith.constant 0 : i32
        %dma_wait3A_127 = arith.constant 0 : i32
        %dma_wait3A_128 = tpu.memref_slice %arg3[%dma_wait3A_126, %dma_wait3A_127] : memref<2x320000xi32, #tpu.memory_space<hbm>> -> memref<1x128xi32, #tpu.memory_space<hbm>>
        tpu.wait_dma2 semaphore(%arg12 : memref<!tpu.dma_semaphore, #tpu.memory_space<semaphore_mem>>) src(%dma_wait3A_128 : memref<1x128xi32, #tpu.memory_space<hbm>>) dst(%arg9 : memref<1x128xi32, #tpu.memory_space<vmem>>)
        %run_scoped3A = arith.constant 0 : i32
        "tpu.region"() ({
          %run_scoped3A_129 = tpu.sem_alloc : memref<!tpu.dma_semaphore, #tpu.memory_space<semaphore_mem>>
          %dma_start3A = arith.constant 0 : i32
          %dma_start3A_130 = tpu.memref_slice %arg9[%run_scoped3A, %dma_start3A] : memref<1x128xi32, #tpu.memory_space<vmem>> -> memref<1x128xi32, #tpu.memory_space<vmem>>
          %dma_start3A_131 = tpu.memref_squeeze %dma_start3A_130 : memref<1x128xi32, #tpu.memory_space<vmem>> -> memref<128xi32, #tpu.memory_space<vmem>>
          %dma_start3A_132 = arith.constant 0 : i32
          %dma_start3A_133 = arith.constant 0 : i32
          %dma_start3A_134 = tpu.memref_slice %arg5[%dma_start3A_132, %dma_start3A_133] : memref<10112x128xf32, #tpu.memory_space<vmem_shared>> -> memref<10112x128xf32, #tpu.memory_space<vmem_shared>>
          tpu.enqueue_indirect_dma source(%arg6 : memref<128x128xf32, #tpu.memory_space<vmem>>) target(%dma_start3A_134 : memref<10112x128xf32, #tpu.memory_space<vmem_shared>>) offsets(%dma_start3A_131 : memref<128xi32, #tpu.memory_space<vmem>>) semaphore(%run_scoped3A_129 : memref<!tpu.dma_semaphore, #tpu.memory_space<semaphore_mem>>) {add = true}
          %dma_wait3A_135 = arith.constant 0 : i32
          %dma_wait3A_136 = tpu.memref_slice %arg9[%run_scoped3A, %dma_wait3A_135] : memref<1x128xi32, #tpu.memory_space<vmem>> -> memref<1x128xi32, #tpu.memory_space<vmem>>
          %dma_wait3A_137 = tpu.memref_squeeze %dma_wait3A_136 : memref<1x128xi32, #tpu.memory_space<vmem>> -> memref<128xi32, #tpu.memory_space<vmem>>
          %dma_wait3A_138 = arith.constant 0 : i32
          %dma_wait3A_139 = arith.constant 0 : i32
          %dma_wait3A_140 = tpu.memref_slice %arg5[%dma_wait3A_138, %dma_wait3A_139] : memref<10112x128xf32, #tpu.memory_space<vmem_shared>> -> memref<10112x128xf32, #tpu.memory_space<vmem_shared>>
          tpu.wait_indirect_dma semaphore(%run_scoped3A_129 : memref<!tpu.dma_semaphore, #tpu.memory_space<semaphore_mem>>) src(%arg6 : memref<128x128xf32, #tpu.memory_space<vmem>>) dst(%dma_wait3A_140 : memref<10112x128xf32, #tpu.memory_space<vmem_shared>>)
          tpu.yield
        }) : () -> ()
      } else {
      }
      %add3A_107 = arith.constant 3 : i32
      %add3A_108 = arith.addi %add3A_100, %add3A_107 : i32
      %add3A_109 = arith.addi %mul3A_2, %add3A_108 : i32
      %lt3A_110 = arith.constant 79 : i32
      %lt3A_111 = arith.cmpi slt, %add3A_108, %lt3A_110 : i32
      %lt3A_112 = arith.constant 2500 : i32
      %lt3A_113 = arith.cmpi slt, %add3A_109, %lt3A_112 : i32
      %and3A_114 = arith.andi %lt3A_111, %lt3A_113 : i1
      %convert_element_type3A_115 = arith.extui %and3A_114 : i1 to i32
      %cond3A_116 = arith.constant 0 : i32
      %cond3A_117 = arith.cmpi ne, %convert_element_type3A_115, %cond3A_116 : i32
      scf.if %cond3A_117 {
        %mul3A_118 = arith.constant 128 : i32
        %mul3A_119 = arith.muli %add3A_109, %mul3A_118 : i32
        %dma_start3A = arith.constant 0 : i32
        %dma_start3A_120 = tpu.memref_slice %arg2[%mul3A_119, %dma_start3A] : memref<320000x128xf32, #tpu.memory_space<hbm>> -> memref<128x128xf32, #tpu.memory_space<hbm>>
        %dma_start3A_121 = arith.constant 0 : i32
        %dma_start3A_122 = tpu.memref_slice %arg2[%mul3A_119, %dma_start3A_121] : memref<320000x128xf32, #tpu.memory_space<hbm>> -> memref<128x128xf32, #tpu.memory_space<hbm>>
        tpu.enqueue_dma source(%dma_start3A_122 : memref<128x128xf32, #tpu.memory_space<hbm>>) target(%arg6 : memref<128x128xf32, #tpu.memory_space<vmem>>) target_semaphore(%arg12 : memref<!tpu.dma_semaphore, #tpu.memory_space<semaphore_mem>>)
        %mul3A_123 = arith.constant 128 : i32
        %mul3A_124 = arith.muli %add3A_109, %mul3A_123 : i32
        %dma_start3A_125 = arith.constant 0 : i32
        %dma_start3A_126 = tpu.memref_slice %arg3[%dma_start3A_125, %mul3A_124] : memref<2x320000xi32, #tpu.memory_space<hbm>> -> memref<1x128xi32, #tpu.memory_space<hbm>>
        %dma_start3A_127 = arith.constant 0 : i32
        %dma_start3A_128 = tpu.memref_slice %arg3[%dma_start3A_127, %mul3A_124] : memref<2x320000xi32, #tpu.memory_space<hbm>> -> memref<1x128xi32, #tpu.memory_space<hbm>>
        tpu.enqueue_dma source(%dma_start3A_128 : memref<1x128xi32, #tpu.memory_space<hbm>>) target(%arg9 : memref<1x128xi32, #tpu.memory_space<vmem>>) target_semaphore(%arg12 : memref<!tpu.dma_semaphore, #tpu.memory_space<semaphore_mem>>)
      } else {
      }
    }
    %scan3A_43 = arith.constant 26 : i32
    %add3A_44 = arith.constant 78 : i32
    %add3A_45 = arith.addi %mul3A_2, %add3A_44 : i32
    %lt3A_46 = arith.constant 2500 : i32
    %lt3A_47 = arith.cmpi slt, %add3A_45, %lt3A_46 : i32
    %convert_element_type3A_48 = arith.extui %lt3A_47 : i1 to i32
    %cond3A_49 = arith.constant 0 : i32
    %cond3A_50 = arith.cmpi ne, %convert_element_type3A_48, %cond3A_49 : i32
    scf.if %cond3A_50 {
      %dma_wait3A = arith.constant 0 : i32
      %dma_wait3A_56 = arith.constant 0 : i32
      %dma_wait3A_57 = tpu.memref_slice %arg2[%dma_wait3A, %dma_wait3A_56] : memref<320000x128xf32, #tpu.memory_space<hbm>> -> memref<128x128xf32, #tpu.memory_space<hbm>>
      %dma_wait3A_58 = arith.constant 0 : i32
      %dma_wait3A_59 = arith.constant 0 : i32
      %dma_wait3A_60 = tpu.memref_slice %arg2[%dma_wait3A_58, %dma_wait3A_59] : memref<320000x128xf32, #tpu.memory_space<hbm>> -> memref<128x128xf32, #tpu.memory_space<hbm>>
      tpu.wait_dma2 semaphore(%arg13 : memref<!tpu.dma_semaphore, #tpu.memory_space<semaphore_mem>>) src(%dma_wait3A_60 : memref<128x128xf32, #tpu.memory_space<hbm>>) dst(%arg7 : memref<128x128xf32, #tpu.memory_space<vmem>>)
      %dma_wait3A_61 = arith.constant 0 : i32
      %dma_wait3A_62 = arith.constant 0 : i32
      %dma_wait3A_63 = tpu.memref_slice %arg3[%dma_wait3A_61, %dma_wait3A_62] : memref<2x320000xi32, #tpu.memory_space<hbm>> -> memref<1x128xi32, #tpu.memory_space<hbm>>
      %dma_wait3A_64 = arith.constant 0 : i32
      %dma_wait3A_65 = arith.constant 0 : i32
      %dma_wait3A_66 = tpu.memref_slice %arg3[%dma_wait3A_64, %dma_wait3A_65] : memref<2x320000xi32, #tpu.memory_space<hbm>> -> memref<1x128xi32, #tpu.memory_space<hbm>>
      tpu.wait_dma2 semaphore(%arg13 : memref<!tpu.dma_semaphore, #tpu.memory_space<semaphore_mem>>) src(%dma_wait3A_66 : memref<1x128xi32, #tpu.memory_space<hbm>>) dst(%arg10 : memref<1x128xi32, #tpu.memory_space<vmem>>)
      %run_scoped3A = arith.constant 0 : i32
      "tpu.region"() ({
        %run_scoped3A_67 = tpu.sem_alloc : memref<!tpu.dma_semaphore, #tpu.memory_space<semaphore_mem>>
        %dma_start3A = arith.constant 0 : i32
        %dma_start3A_68 = tpu.memref_slice %arg10[%run_scoped3A, %dma_start3A] : memref<1x128xi32, #tpu.memory_space<vmem>> -> memref<1x128xi32, #tpu.memory_space<vmem>>
        %dma_start3A_69 = tpu.memref_squeeze %dma_start3A_68 : memref<1x128xi32, #tpu.memory_space<vmem>> -> memref<128xi32, #tpu.memory_space<vmem>>
        %dma_start3A_70 = arith.constant 0 : i32
        %dma_start3A_71 = arith.constant 0 : i32
        %dma_start3A_72 = tpu.memref_slice %arg5[%dma_start3A_70, %dma_start3A_71] : memref<10112x128xf32, #tpu.memory_space<vmem_shared>> -> memref<10112x128xf32, #tpu.memory_space<vmem_shared>>
        tpu.enqueue_indirect_dma source(%arg7 : memref<128x128xf32, #tpu.memory_space<vmem>>) target(%dma_start3A_72 : memref<10112x128xf32, #tpu.memory_space<vmem_shared>>) offsets(%dma_start3A_69 : memref<128xi32, #tpu.memory_space<vmem>>) semaphore(%run_scoped3A_67 : memref<!tpu.dma_semaphore, #tpu.memory_space<semaphore_mem>>) {add = true}
        %dma_wait3A_73 = arith.constant 0 : i32
        %dma_wait3A_74 = tpu.memref_slice %arg10[%run_scoped3A, %dma_wait3A_73] : memref<1x128xi32, #tpu.memory_space<vmem>> -> memref<1x128xi32, #tpu.memory_space<vmem>>
        %dma_wait3A_75 = tpu.memref_squeeze %dma_wait3A_74 : memref<1x128xi32, #tpu.memory_space<vmem>> -> memref<128xi32, #tpu.memory_space<vmem>>
        %dma_wait3A_76 = arith.constant 0 : i32
        %dma_wait3A_77 = arith.constant 0 : i32
        %dma_wait3A_78 = tpu.memref_slice %arg5[%dma_wait3A_76, %dma_wait3A_77] : memref<10112x128xf32, #tpu.memory_space<vmem_shared>> -> memref<10112x128xf32, #tpu.memory_space<vmem_shared>>
        tpu.wait_indirect_dma semaphore(%run_scoped3A_67 : memref<!tpu.dma_semaphore, #tpu.memory_space<semaphore_mem>>) src(%arg7 : memref<128x128xf32, #tpu.memory_space<vmem>>) dst(%dma_wait3A_78 : memref<10112x128xf32, #tpu.memory_space<vmem_shared>>)
        tpu.yield
      }) : () -> ()
    } else {
    }
    %barrier3A_51 = arith.constant 0 : index
    tpu.barrier barrier_id(%barrier3A_51)
    %mul3A_52 = arith.constant 632 : i32
    %mul3A_53 = arith.muli %arg1, %mul3A_52 : i32
    %mul3A_54 = arith.constant 632 : i32
    %mul3A_55 = arith.muli %arg1, %mul3A_54 : i32
    "tpu.region"() ({
      %run_scoped3A = tpu.sem_alloc : memref<!tpu.dma_semaphore, #tpu.memory_space<semaphore_mem>>
      %dma_start3A = arith.constant 0 : i32
      %dma_start3A_56 = tpu.memref_slice %arg4[%arg0, %mul3A_55, %dma_start3A] : memref<2x10112x128xf32, #tpu.memory_space<hbm>> -> memref<1x632x128xf32, #tpu.memory_space<hbm>>
      %dma_start3A_57 = tpu.memref_squeeze %dma_start3A_56 : memref<1x632x128xf32, #tpu.memory_space<hbm>> -> memref<632x128xf32, #tpu.memory_space<hbm>>
      %dma_start3A_58 = arith.constant 0 : i32
      %dma_start3A_59 = tpu.memref_slice %arg5[%mul3A_53, %dma_start3A_58] : memref<10112x128xf32, #tpu.memory_space<vmem_shared>> -> memref<632x128xf32, #tpu.memory_space<vmem_shared>>
      tpu.enqueue_dma source(%dma_start3A_59 : memref<632x128xf32, #tpu.memory_space<vmem_shared>>) target(%dma_start3A_57 : memref<632x128xf32, #tpu.memory_space<hbm>>) target_semaphore(%run_scoped3A : memref<!tpu.dma_semaphore, #tpu.memory_space<semaphore_mem>>)
      %dma_wait3A = arith.constant 0 : i32
      %dma_wait3A_60 = tpu.memref_slice %arg4[%arg0, %mul3A_55, %dma_wait3A] : memref<2x10112x128xf32, #tpu.memory_space<hbm>> -> memref<1x632x128xf32, #tpu.memory_space<hbm>>
      %dma_wait3A_61 = tpu.memref_squeeze %dma_wait3A_60 : memref<1x632x128xf32, #tpu.memory_space<hbm>> -> memref<632x128xf32, #tpu.memory_space<hbm>>
      %dma_wait3A_62 = arith.constant 0 : i32
      %dma_wait3A_63 = tpu.memref_slice %arg5[%mul3A_53, %dma_wait3A_62] : memref<10112x128xf32, #tpu.memory_space<vmem_shared>> -> memref<632x128xf32, #tpu.memory_space<vmem_shared>>
      tpu.wait_dma2 semaphore(%run_scoped3A : memref<!tpu.dma_semaphore, #tpu.memory_space<semaphore_mem>>) src(%dma_wait3A_63 : memref<632x128xf32, #tpu.memory_space<vmem_shared>>) dst(%dma_wait3A_61 : memref<632x128xf32, #tpu.memory_space<hbm>>)
      tpu.yield
    }) : () -> ()
    return
  }
}

module attributes {stable_mosaic.version = 14 : i64} {
  func.func @body(%arg0: i32, %arg1: memref<10000x128xf32, #tpu.memory_space<vmem>>, %arg2: memref<2x10000x128xf32, #tpu.memory_space<vmem>>, %arg3: memref<128x128xf32, #tpu.memory_space<vmem>>, %arg4: memref<128x128xf32, #tpu.memory_space<vmem>>, %arg5: memref<128x128xf32, #tpu.memory_space<vmem>>, %arg6: memref<1x128xf32, #tpu.memory_space<vmem>>, %arg7: memref<1x128xf32, #tpu.memory_space<vmem>>, %arg8: memref<10000x128xf32, #tpu.memory_space<vmem>>) attributes {dimension_semantics = [#tpu.dimension_semantics<arbitrary>], iteration_bounds = array<i64: 1>, scalar_prefetch = 0 : i64, scratch_operands = 0 : i64, tpu.core_type = #tpu.core_type<tc>, window_params = [{transform_indices = @transform_0, window_bounds = array<i64: 10000, 128>}, {transform_indices = @transform_1, window_bounds = array<i64: 2, 10000, 128>}, {pipeline_mode = #tpu.pipeline_mode<synchronous>, transform_indices = @transform_2, window_bounds = array<i64: 128, 128>}, {pipeline_mode = #tpu.pipeline_mode<synchronous>, transform_indices = @transform_3, window_bounds = array<i64: 128, 128>}, {pipeline_mode = #tpu.pipeline_mode<synchronous>, transform_indices = @transform_4, window_bounds = array<i64: 128, 128>}, {pipeline_mode = #tpu.pipeline_mode<synchronous>, transform_indices = @transform_5, window_bounds = array<i64: 1, 128>}, {pipeline_mode = #tpu.pipeline_mode<synchronous>, transform_indices = @transform_6, window_bounds = array<i64: 1, 128>}, {transform_indices = @transform_7, window_bounds = array<i64: 10000, 128>}]} {
    %get3A = arith.constant 0 : index
    %get3A_0 = arith.constant 0 : index
    %get3A_1 = arith.constant 0 : index
    %get3A_2 = vector.load %arg2[%get3A, %get3A_0, %get3A_1] : memref<2x10000x128xf32, #tpu.memory_space<vmem>>, vector<1x10000x128xf32>
    %get3A_3 = vector.shape_cast %get3A_2 : vector<1x10000x128xf32> to vector<10000x128xf32>
    %get3A_4 = arith.constant 1 : index
    %get3A_5 = arith.constant 0 : index
    %get3A_6 = arith.constant 0 : index
    %get3A_7 = vector.load %arg2[%get3A_4, %get3A_5, %get3A_6] : memref<2x10000x128xf32, #tpu.memory_space<vmem>>, vector<1x10000x128xf32>
    %get3A_8 = vector.shape_cast %get3A_7 : vector<1x10000x128xf32> to vector<10000x128xf32>
    %add3A = arith.addf %get3A_3, %get3A_8 : vector<10000x128xf32>
    %get3A_9 = arith.constant 0 : index
    %get3A_10 = arith.constant 0 : index
    %get3A_11 = vector.load %arg1[%get3A_9, %get3A_10] : memref<10000x128xf32, #tpu.memory_space<vmem>>, vector<10000x128xf32>
    %get3A_12 = arith.constant 0 : index
    %get3A_13 = arith.constant 0 : index
    %get3A_14 = vector.load %arg3[%get3A_12, %get3A_13] : memref<128x128xf32, #tpu.memory_space<vmem>>, vector<128x128xf32>
    %dot_general3A = arith.constant dense<0.000000e+00> : vector<10000x128xf32>
    %dot_general3A_15 = tpu.matmul %get3A_11, %get3A_14, %dot_general3A {dimension_numbers = #tpu.dot_dimension_numbers<[1], [0], [0], [1], [0, 0, 1, 1], [], []>, transpose_lhs_hint = false} : vector<10000x128xf32>, vector<128x128xf32>, vector<10000x128xf32> -> vector<10000x128xf32>
    %get3A_16 = arith.constant 0 : index
    %get3A_17 = arith.constant 0 : index
    %get3A_18 = vector.load %arg4[%get3A_16, %get3A_17] : memref<128x128xf32, #tpu.memory_space<vmem>>, vector<128x128xf32>
    %dot_general3A_19 = arith.constant dense<0.000000e+00> : vector<10000x128xf32>
    %dot_general3A_20 = tpu.matmul %add3A, %get3A_18, %dot_general3A_19 {dimension_numbers = #tpu.dot_dimension_numbers<[1], [0], [0], [1], [0, 0, 1, 1], [], []>, transpose_lhs_hint = false} : vector<10000x128xf32>, vector<128x128xf32>, vector<10000x128xf32> -> vector<10000x128xf32>
    %add3A_21 = arith.addf %dot_general3A_15, %dot_general3A_20 : vector<10000x128xf32>
    %get3A_22 = arith.constant 0 : index
    %get3A_23 = arith.constant 0 : index
    %get3A_24 = vector.load %arg6[%get3A_22, %get3A_23] : memref<1x128xf32, #tpu.memory_space<vmem>>, vector<1x128xf32>
    %add3A_25 = vector.broadcast %get3A_24 : vector<1x128xf32> to vector<10000x128xf32>
    %add3A_26 = arith.addf %add3A_21, %add3A_25 : vector<10000x128xf32>
    %max3A = arith.constant 0.000000e+00 : f32
    %max3A_27 = vector.broadcast %max3A : f32 to vector<10000x128xf32>
    %max3A_28 = arith.maximumf %add3A_26, %max3A_27 : vector<10000x128xf32>
    %get3A_29 = arith.constant 0 : index
    %get3A_30 = arith.constant 0 : index
    %get3A_31 = vector.load %arg5[%get3A_29, %get3A_30] : memref<128x128xf32, #tpu.memory_space<vmem>>, vector<128x128xf32>
    %dot_general3A_32 = arith.constant dense<0.000000e+00> : vector<10000x128xf32>
    %dot_general3A_33 = tpu.matmul %max3A_28, %get3A_31, %dot_general3A_32 {dimension_numbers = #tpu.dot_dimension_numbers<[1], [0], [0], [1], [0, 0, 1, 1], [], []>, transpose_lhs_hint = false} : vector<10000x128xf32>, vector<128x128xf32>, vector<10000x128xf32> -> vector<10000x128xf32>
    %get3A_34 = arith.constant 0 : index
    %get3A_35 = arith.constant 0 : index
    %get3A_36 = vector.load %arg7[%get3A_34, %get3A_35] : memref<1x128xf32, #tpu.memory_space<vmem>>, vector<1x128xf32>
    %add3A_37 = vector.broadcast %get3A_36 : vector<1x128xf32> to vector<10000x128xf32>
    %add3A_38 = arith.addf %dot_general3A_33, %add3A_37 : vector<10000x128xf32>
    %swap3A = arith.constant 0 : index
    %swap3A_39 = arith.constant 0 : index
    %swap3A_40 = vector.load %arg8[%swap3A, %swap3A_39] : memref<10000x128xf32, #tpu.memory_space<vmem>>, vector<10000x128xf32>
    tpu.vector_store %arg8[%swap3A, %swap3A_39], %add3A_38 {strides = array<i32>} : memref<10000x128xf32, #tpu.memory_space<vmem>>, vector<10000x128xf32>,
    return
  }
  func.func @transform_0(%arg0: i32) -> (i32, i32) {
    %c0_i32 = arith.constant 0 : i32
    %c0_i32_0 = arith.constant 0 : i32
    return %arg0, %c0_i32 : i32, i32
  }
  func.func @transform_1(%arg0: i32) -> (i32, i32, i32) {
    %c0_i32 = arith.constant 0 : i32
    %c0_i32_0 = arith.constant 0 : i32
    %c0_i32_1 = arith.constant 0 : i32
    return %c0_i32, %arg0, %c0_i32_0 : i32, i32, i32
  }
  func.func @transform_2(%arg0: i32) -> (i32, i32) {
    %c0_i32 = arith.constant 0 : i32
    %c0_i32_0 = arith.constant 0 : i32
    %c0_i32_1 = arith.constant 0 : i32
    return %c0_i32, %c0_i32_0 : i32, i32
  }
  func.func @transform_3(%arg0: i32) -> (i32, i32) {
    %c0_i32 = arith.constant 0 : i32
    %c0_i32_0 = arith.constant 0 : i32
    %c0_i32_1 = arith.constant 0 : i32
    return %c0_i32, %c0_i32_0 : i32, i32
  }
  func.func @transform_4(%arg0: i32) -> (i32, i32) {
    %c0_i32 = arith.constant 0 : i32
    %c0_i32_0 = arith.constant 0 : i32
    %c0_i32_1 = arith.constant 0 : i32
    return %c0_i32, %c0_i32_0 : i32, i32
  }
  func.func @transform_5(%arg0: i32) -> (i32, i32) {
    %c0_i32 = arith.constant 0 : i32
    %c0_i32_0 = arith.constant 0 : i32
    %c0_i32_1 = arith.constant 0 : i32
    return %c0_i32, %c0_i32_0 : i32, i32
  }
  func.func @transform_6(%arg0: i32) -> (i32, i32) {
    %c0_i32 = arith.constant 0 : i32
    %c0_i32_0 = arith.constant 0 : i32
    %c0_i32_1 = arith.constant 0 : i32
    return %c0_i32, %c0_i32_0 : i32, i32
  }
  func.func @transform_7(%arg0: i32) -> (i32, i32) {
    %c0_i32 = arith.constant 0 : i32
    %c0_i32_0 = arith.constant 0 : i32
    return %arg0, %c0_i32 : i32, i32
  }
}

</mosaic_0001>

<sc_bundles>
// kernel: kernel.4.cloned.1.call-start
scs
__scs_entry_jumppad:
0x0: {  	(pc) =	sbr.rel $0x88, $3  }
0x1: {  	(tag) =	ssettag $0x0;
	lr =	simm.s32 $0x1  }
0x2: {  	[smem:$0x3F9A] =	sst lr;
	_ =	strace $0xD0000000  }
0x3: {  	_ = 	snop  }
0x4: {  	_ = 	snop  }
0x5: {  	_ = 	snop  }
0x6: {  	_ = 	snop  }
0x7: {  	_ = 	snop  }
__scs_overlays_trampoline_lowered:
0x8: {  	[smem:$0x3FA9] =	sst s0  }
0x9: {  	[smem:$0x3FAA] =	sst s1  }
0xa: {  	[smem:$0x3FAB] =	sst s2  }
0xb: {  	[smem:$0x3FAC] =	sst s3  }
0xc: {  	[smem:$0x3FAD] =	sst s4  }
0xd: {  	[smem:$0x3FAE] =	sst s5  }
0xe: {  	[smem:$0x3FAF] =	sst s6  }
0xf: {  	[smem:$0x3FB0] =	sst s7  }
0x10: {  	[smem:$0x3FB1] =	sst s8  }
0x11: {  	[smem:$0x3FB2] =	sst s9;
	s0 =	simm.s32 @!p0 $0x0  }
0x12: {  	s1 =	sld [smem:$0x3F98];
	s0 =	simm.s32 @p0 $0x1  }
0x13: {  	[smem:$0x3FB3] =	sst s0;
	s0 =	simm.s32 @!p1 $0x0  }
0x14: {  	s2 =	sld [smem:$0x3F97];
	s0 =	simm.s32 @p1 $0x1  }
0x15: {  	[smem:$0x3FB4] =	sst s0;
	s0 =	simm.s32 @!p2 $0x0  }
0x16: {  	s3 =	sld [smem:$0x3FDB];
	s0 =	simm.s32 @p2 $0x1  }
0x17: {  	s4 =	simm.s32 $0x1BF5;
	[smem:$0x3FB6] =	sst s0  }
0x18: {  	s0 =	sld [smem:$0x3F99];
	_ =	swait.ge [sflag:s4], $0x0  }
0x19: {  	s7 =	sld [smem:$0x3F9A]  }
0x1a: {  	s8 =	sadd.s32 $0xFFFFE003, lr  }
0x1b: {  	s9 =	sadd.s32 $0xFFFFFEF7, lr;
	s5 =	simm.s32 $0xFFFFFFFF;
	p2 =	slt.u32 s8, $0xFFFFF086  }
0x1c: {  	p1 =	slt.u32 s9, $0xF7A;
	s5 =	simm.s32 @!p2 $0x0  }
0x1d: {  	s5 =	simm.s32 @p1 $0x1;
	p0 =	seq.s32 s7, s2  }
0x1e: {  	s7 =	smul.u32 @!p0 $0xF7A, s2;
	p2 =	seq.s32 @!p0 s5, $0x0  }
0x1f: {  	s9 =	smul.u32 $0xF7A, s1;
	s8 =	simm.s32 @!p0 $0x1BF5;
	p2 =	por !p2, p0  }
0x20: {  	[sflag:s8] =	ssyncset.s32 @!p0 $0xFFFFF086;
	s6 =	sadd.s32 @!p0 s3, s7;
	s7 =	simm.s32 @!p0 $0x108  }
0x21: {  	s3 =	sadd.s32 s3, s9;
	s6 =	sadd.s32 @!p0 $0x88, s6;
	s7 =	simm.s32 @p2 $0x1082  }
0x22: {  	[simem:s7], [sflag:s8] =	dma.local @!p0 [hbm:s6], $0xF7A  }
0x23: {  	s9 =	sor.u32 $0xD0000000, s2;
	s6 =	simm.s32 $0x108;
	_ =	swait.ge @!p0 [sflag:s8], $0x0  }
0x24: {  	s3 =	sadd.s32 $0x88, s3;
	s6 =	simm.s32 @!p1 $0x1082;
	[sflag:s4] =	ssyncset.s32 $0xFFFFF086  }
0x25: {  	[simem:s6], [sflag:s4] =	dma.local [hbm:s3], $0xF7A  }
0x26: {  	[smem:$0x3F9A] =	sst s1;
	(tag) =	ssettag s2;
	_ =	strace s9  }
0x27: {  	s1 =	sld [smem:$0x3FAA]  }
0x28: {  	s2 =	sld [smem:$0x3FAB]  }
0x29: {  	s4 =	sld [smem:$0x3FAD]  }
0x2a: {  	p0 =	seq.s32 s5, $0x0;
	s5 =	sld [smem:$0x3FAE]  }
0x2b: {  	s6 =	sld [smem:$0x3FAF]  }
0x2c: {  	s7 =	sld [smem:$0x3FB0]  }
0x2d: {  	s3 =	simm.s32 $0x108;
	s8 =	sld [smem:$0x3FB1]  }
0x2e: {  	s3 =	simm.s32 @!p0 $0x1082;
	s9 =	sld [smem:$0x3FB2]  }
0x2f: {  	lr =	sadd.s32 s0, s3;
	s0 =	sld [smem:$0x3FA9]  }
0x30: {  	s3 =	sld [smem:$0x3FAC]  }
0x31: {  	[smem:$0x3FB5] =	sst s10  }
0x32: {  	s10 =	sld [smem:$0x3FB3];
	_ =	sdelay $0x3  }
0x33: {  	p0 =	seq.s32 s10, $0x1;
	s10 =	sld [smem:$0x3FB5];
	_ =	sdelay $0x3  }
0x34: {  	[smem:$0x3FB5] =	sst s10  }
0x35: {  	s10 =	sld [smem:$0x3FB4];
	_ =	sdelay $0x3  }
0x36: {  	p1 =	seq.s32 s10, $0x1;
	s10 =	sld [smem:$0x3FB5];
	_ =	sdelay $0x3  }
0x37: {  	[smem:$0x3FB5] =	sst s10  }
0x38: {  	s10 =	sld [smem:$0x3FB6]  }
0x39: {  	_ = 	snop;
	(pc) =	sbr.ind lr, $3  }
0x3a: {  	_ = 	snop  }
0x3b: {  	_ = 	snop  }
0x3c: {  	p2 =	seq.s32 s10, $0x1;
	s10 =	sld [smem:$0x3FB5]  }
0x3d: {  	_ =	shalt  }
0x3e: {  	_ =	shalt  }
0x3f: {  	_ =	shalt  }
0x40: {  	_ =	shalt  }
0x41: {  	_ =	shalt  }
0x42: {  	_ =	shalt  }
0x43: {  	_ =	shalt  }
0x44: {  	_ =	shalt  }
0x45: {  	_ =	shalt  }
0x46: {  	_ =	shalt  }
0x47: {  	_ =	shalt  }
0x48: {  	_ =	shalt  }
0x49: {  	_ =	shalt  }
0x4a: {  	_ =	shalt  }
0x4b: {  	_ =	shalt  }
0x4c: {  	_ =	shalt  }
0x4d: {  	_ =	shalt  }
0x4e: {  	_ =	shalt  }
0x4f: {  	_ =	shalt  }
0x50: {  	_ =	shalt  }
0x51: {  	_ =	shalt  }
0x52: {  	_ =	shalt  }
0x53: {  	_ =	shalt  }
0x54: {  	_ =	shalt  }
0x55: {  	_ =	shalt  }
0x56: {  	_ =	shalt  }
0x57: {  	_ =	shalt  }
0x58: {  	_ =	shalt  }
0x59: {  	_ =	shalt  }
0x5a: {  	_ =	shalt  }
0x5b: {  	_ =	shalt  }
0x5c: {  	_ =	shalt  }
0x5d: {  	_ =	shalt  }
0x5e: {  	_ =	shalt  }
0x5f: {  	_ =	shalt  }
0x60: {  	_ =	shalt  }
0x61: {  	_ =	shalt  }
0x62: {  	_ =	shalt  }
0x63: {  	_ =	shalt  }
0x64: {  	_ =	shalt  }
0x65: {  	_ =	shalt  }
0x66: {  	_ =	shalt  }
0x67: {  	_ =	shalt  }
0x68: {  	_ =	shalt  }
0x69: {  	_ =	shalt  }
0x6a: {  	_ =	shalt  }
0x6b: {  	_ =	shalt  }
0x6c: {  	_ =	shalt  }
0x6d: {  	_ =	shalt  }
0x6e: {  	_ =	shalt  }
0x6f: {  	_ =	shalt  }
0x70: {  	_ =	shalt  }
0x71: {  	_ =	shalt  }
0x72: {  	_ =	shalt  }
0x73: {  	_ =	shalt  }
0x74: {  	_ =	shalt  }
0x75: {  	_ =	shalt  }
0x76: {  	_ =	shalt  }
0x77: {  	_ =	shalt  }
0x78: {  	_ =	shalt  }
0x79: {  	_ =	shalt  }
0x7a: {  	_ =	shalt  }
0x7b: {  	_ =	shalt  }
0x7c: {  	_ =	shalt  }
0x7d: {  	_ =	shalt  }
0x7e: {  	_ =	shalt  }
0x7f: {  	_ =	shalt  }
0x80: {  	_ =	shalt  }
0x81: {  	_ =	shalt  }
0x82: {  	_ =	shalt  }
0x83: {  	_ =	shalt  }
0x84: {  	_ =	shalt  }
0x85: {  	_ =	shalt  }
0x86: {  	_ =	shalt  }
0x87: {  	_ =	shalt  }
.Lfunc_end0:
.L_simem_size_0:
called_computation_lowered:
.L_overlay_start_0:
0x88: {  	s2 =	sld [smem:$0x3FD9]  }
0x89: {  	s3 =	sld [smem:$0x3FFE];
	_ =	sdelay $0x1  }
0x8a: {  	s1 =	srdreg.scid  }
0x8b: {  	s0 =	sand.u32 $0x1, s1  }
0x8c: {  	s17 =	sshll.u32 s0, $0xA;
	s2 =	sadd.s32 s3, s2  }
0x8d: {  	s2 =	sadd.s32 s2, s17  }
0x8e: {  	[smem:$0x3FC1] =	sst s2  }
0x8f: {  	_ = 	snop  }
0x90: {  	s2 =	sld [smem:$0x3FC8]  }
0x91: {  	s18 =	sld [smem:$0x3FC7];
	(tm) =	ssettm $0x1  }
0x92: {  	s4 =	sld [smem:$0x3FFB];
	_ =	sdelay $0x3  }
0x93: {  	_ =	strace s4  }
0x94: {  	s4 =	sld [smem:$0x3FFC];
	_ =	sdelay $0x3  }
0x95: {  	_ =	strace s4  }
0x96: {  	s4 =	sld [smem:$0x3FFD];
	_ =	sdelay $0x3  }
0x97: {  	_ =	strace s4  }
0x98: {  	_ =	strace $0x8FFFFFFF  }
0x99: {  	s19 =	sld [smem:$0x3FDB];
	_ =	sdelay $0x1  }
0x9a: {  	s5 =	simm.s32 $_scs_section_size  }
0x9b: {  	s6 =	simm.s32 $_size__tile_overlayer_lowered;
	s7 =	simm.s32 $_tile_overlayer_lowered  }
0x9c: {  	s22 =	simm.s32 $0x1BFF;
	s21 =	sshll.u32 s7, $0x1;
	s4 =	sadd.s32 s5, s19  }
0x9d: {  	s8 =	simm.s32 $0x0;
	s20 =	sshll.u32 s6, $0x1;
	s6 =	sadd.s32 s21, s4  }
0x9e: {  	[timem:s8], [sflag:s22] =	dma.local [hbm:s6], s20  }
0x9f: {  	_ =	swait.ge [sflag:s22], s20  }
0xa0: {  	s5 =	ssub.s32 $0x0, s20;
	[sflag:s22] =	ssyncset.done $0x0  }
0xa1: {  	[sflag:s22] =	ssyncadd.s32 s5;
	_ =	sdelay $0x1  }
0xa2: {  	s23 =	simm.s32 $0x1B8B  }
0xa3: {  	_ =	swait.ge [sflag:s23], $0x1  }
0xa4: {  	[sflag:s23] =	ssyncset.done $0x0  }
0xa5: {  	s25 =	simm.s32 $0x1B8E;
	s24 =	sld [smem:$0x3FFE];
	[sflag:s23] =	ssyncadd.s32 $0xFFFFFFFF  }
0xa6: {  	s26 =	simm.s32 $execute0_lowered;
	[smem:$0x3FD2] =	sst s25  }
0xa7: {  	s6 =	sshll.u32 s26, $0x1;
	_ =	strace $0x80000046;
	[dreg:$0x1] =	wrdreg $0xFFFFFFFF  }
0xa8: {  	s28 =	simm.s32 $_size_execute0_lowered;
	s4 =	sadd.s32 s4, s6;
	[dreg:$0x0] =	wrdreg $0x0  }
0xa9: {  	s6 =	sshll.u32 s28, $0x1;
	[dreg:$0x2] =	wrdreg s4  }
0xaa: {  	[dreg:$0x3] =	wrdreg s6  }
0xab: {  	[dreg:$0x4] =	wrdreg $0xC0  }
0xac: {  	_ =	task [dreg:s8], $0x5FFFF  }
0xad: {  	[dreg:$0x1] =	wrdreg $0xFFFFFFFF  }
0xae: {  	[dreg:$0x0] =	wrdreg $0x60  }
0xaf: {  	[dreg:$0x2] =	wrdreg s18  }
0xb0: {  	[dreg:$0x3] =	wrdreg s2  }
0xb1: {  	[dreg:$0x4] =	wrdreg s24  }
0xb2: {  	[dreg:$0x5] =	wrdreg $0x0  }
0xb3: {  	[dreg:$0x6] =	wrdreg $0x9  }
0xb4: {  	_ =	task.clear_ibuf [dreg:s8], $0x7FFFF;
	_ =	strace $0x90000046  }
0xb5: {  	s29 =	simm.s32 $0x9;
	_ =	strace $0x80000048  }
0xb6: {  	_ =	swait.ge [sflag:s29], $0x1  }
0xb7: {  	[sflag:s29] =	ssyncadd.s32 $0xFFFFFFFF  }
0xb8: {  	_ =	strace $0x90000048  }
0xb9: {  	_ =	sfence  }
0xba: {  	s30 =	sld [smem:$0x0];
	_ =	sdelay $0x2  }
0xbb: {  	s31 =	sshll.u32 s1, $0xD;
	s1 =	sshrl.u32 s1, $0x2  }
0xbc: {  	s3 =	sand.u32 $0x4000, s31;
	s1 =	sadd.s32 s1, s30  }
0xbd: {  	s0 =	sor.u32 s3, s0;
	s1 =	sshll.u32 s1, $0x11  }
0xbe: {  	s0 =	sor.u32 s1, s0  }
0xbf: {  	s0 =	sadd.s32 $0x8F2B, s0  }
0xc0: {  	[sflag:s0] =	ssyncadd.remote.s32 $0x1  }
0xc1: {  	_ =	sfence.sel $0xFFFF  }
0xc2: {  	[dreg:$0x0] =	wrdreg $0xFFFFFFFF;
	(pc) =	sbr.abs _section_cstart, $3  }
0xc3: {  	[dreg:$0x1] =	wrdreg $0xFFFFFFFF  }
0xc4: {  	_ =	task.clear_ibuf [dreg:s8], $0x2FFFF;
	_ =	strace $0x9FFFFFFF  }
0xc5: {  	(tm) =	ssettm $0x7FFFFFFF  }
tec
execute0_lowered:
.L_overlay_start_1:
0x0: {  	(tag) =	ssettag $0x1  }
0x1: {  	s0 =	rddreg [dreg:$0x0]  }
0x2: {  	s17 =	rddreg [dreg:$0x1];
	s1 =	stileid.u32  }
0x3: {  	s3 =	srdreg.scid;
	s7 =	smul.u32 $0x13C00, s1  }
0x4: {  	s4 =	rddreg [dreg:$0x2];
	s16 =	sand.u32 $0x1, s3;
	s19 =	smul.u32 $0x4F000, s1  }
0x5: {  	s2 =	rddreg [dreg:$0x3];
	s6 =	sshll.u32 s1, $0x1;
	s5 =	smul.u32 $0x13C000, s16  }
0x6: {  	s3 =	simm.s32 $0x0;
	s18 =	sor.u32 s16, s6;
	s20 =	smul.u32 $0x27800, s16  }
0x7: {  	[smem:$0x7FF] =	sst s3;
	s10 =	smul.u32 $0x4F, s18  }
0x8: {  	s21 =	ssub.s32 $0x2, s16;
	_ =	strace $0x80000047;
	s22 =	smul.u32 $0x27800, s18  }
0x9: {  	s8 =	sshrl.u32 s21, $0x1;
	s9 =	smul.u32 $0x9E0, s18;
	s29 =	sshrl.u32 s19, $0x2  }
0xa: {  	p0 =	seq.s32 s18, $0x1F;
	s5 =	sadd.s32 s7, s5;
	s13 =	ssub.s32 s21, s8  }
0xb: {  	s8 =	sadd.s32 s29, s2;
	s21 =	smul.u32 $0x13C0, s1;
	s5 =	sshrl.u32 s5, $0x3  }
0xc: {  	s23 =	sadd.s32 s0, s22;
	s24 =	sadd.s32 s17, s9;
	s25 =	sadd.s32 $0x1, s10  }
0xd: {  	s9 =	sadd.s32 $0x10000, s8;
	s10 =	sadd.s32 $0x2, s10;
	s22 =	smul.u32 $0x9E0, s16  }
0xe: {  	s13 =	smax.u32 s13, $0x1;
	s15 =	sadd.s32 $0x8000, s8;
	[dreg:$0x6] =	wrdreg s23  }
0xf: {  	s12 =	sadd.s32 s5, s4;
	[dreg:$0x7] =	wrdreg s24;
	s26 =	sshll.u32 s25, $0xB  }
0x10: {  	s28 =	sshll.u32 s25, $0x5;
	s11 =	sshll.u32 s10, $0xB;
	s23 =	smul.u32 $0x9E, s1  }
0x11: {  	s14 =	sshll.u32 s10, $0x5;
	s24 =	smul.u32 $0x4F, s16;
	s16 =	sadd.s32 $0xC000, s8  }
0x12: {  	s1 =	simm.s32 @!p0 $0x0;
	s30 =	sadd.s32 s0, s26;
	s7 =	sadd.s32 s17, s28  }
0x13: {  	s10 =	sadd.s32 s0, s11;
	s11 =	sadd.s32 s17, s14;
	s12 =	sadd.s32 $0x1200, s12  }
0x14: {  	s14 =	sadd.s32 $0x4000, s8;
	s0 =	sadd.s32 s19, s0;
	s17 =	sadd.s32 s21, s17  }
0x15: {  	s1 =	simm.s32 @p0 $0x1;
	s26 =	simm.s32 $0x0;
	[dreg:$0x8] =	wrdreg s30  }
0x16: {  	s0 =	sadd.s32 s20, s0;
	s17 =	sadd.s32 s22, s17;
	s31 =	sadd.s32 s24, s23  }
0x17: {  	s23 =	simm.s32 $0x13C00;
	s24 =	simm.s32 $0x4;
	[smem:$0x7FD] =	sst s1  }
0x18: {  	v0 =	vimm.f32 $0.0e+00;
	s0 =	sadd.s32 $0x2800, s0;
	s19 =	sadd.s32 $0xA0, s17;
	[dreg:$0x5] =	wrdreg s31  }
.LBB2_1:
0x19: {  	s1 =	rddreg [dreg:$0x6];
	s4 =	simm.s32 $0x17C00  }
0x1a: {  	[tilespmem:s4], [sflag:$0x2] =	stream.linear.gather [hbm4b:s1+s3], $0x4000, $0x38;
	[tilespmem:$0x1FD80] =	vst v63  }
0x1b: {  	s25 =	rddreg [dreg:$0x7];
	s28 =	simm.s32 $0x1FC80  }
0x1c: {  	[tilespmem:s28], [sflag:$0x2] =	stream.linear.gather [hbm4b:s25+s3], $0x80, $0x38;
	[tilespmem:$0x1FD80] =	vst v63  }
0x1d: {  	s29 =	rddreg [dreg:$0x8];
	s30 =	simm.s32 $0x1BC00  }
0x1e: {  	[tilespmem:s30], [sflag:$0x3] =	stream.linear.gather [hbm4b:s29+s3], $0x4000, $0x38;
	[tilespmem:$0x1FD80] =	vst v63  }
0x1f: {  	s31 =	simm.s32 $0x1FD00;
	s17 =	simm.s32 $0x0;
	s18 =	simm.s32 $0x200  }
0x20: {  	[tilespmem:s31], [sflag:$0x3] =	stream.linear.gather [hbm4b:s7+s3], $0x80, $0x38;
	[tilespmem:$0x1FD80] =	vst v63  }
.LBB2_2:
0x21: {  	p1 =	sne.s32 s18, $0xFE00;
	[tilespmem:s17+$0x13C70] =	vst v0  }
0x22: {  	[tilespmem:s17+$0x13C00] =	vst v0  }
0x23: {  	[tilespmem:s17+$0x13C10] =	vst v0  }
.Ltmp0:
0x24: {  	[tilespmem:s17+$0x13C20] =	vst v0;
	(pc) =	sbr.rel @p1 .LBB2_2-.Ltmp0, $4  }
0x25: {  	[tilespmem:s17+$0x13C30] =	vst v0  }
0x26: {  	[tilespmem:s17+$0x13C40] =	vst v0  }
0x27: {  	[tilespmem:s17+$0x13C50] =	vst v0  }
0x28: {  	[tilespmem:s17+$0x13C60] =	vst v0;
	s17 =	sshra.s32 s18, $0x2;
	s18 =	sadd.s32 $0x200, s18  }
0x29: {  	[tilespmem:s17+$0x13C70] =	vst v0  }
0x2a: {  	[tilespmem:s17+$0x13C00] =	vst v0  }
0x2b: {  	[tilespmem:s17+$0x13C10] =	vst v0  }
0x2c: {  	[tilespmem:s17+$0x13C20] =	vst v0  }
0x2d: {  	[tilespmem:s17+$0x13C30] =	vst v0  }
0x2e: {  	[tilespmem:s17+$0x13C40] =	vst v0  }
0x2f: {  	[tilespmem:s17+$0x13C50] =	vst v0  }
0x30: {  	[tilespmem:s17+$0x13C60] =	vst v0  }
0x31: {  	[spmem:s8] =	stream.linear.scatter [tilespmem:s23], [sflag:$0x4], $0x4000, $0x38;
	[tilespmem:$0x1FD80] =	vst v63  }
0x32: {  	_ =	swait.ge [sflag:s24], $0x4000  }
0x33: {  	[sflag:s24] =	ssyncset.done $0x0  }
0x34: {  	[sflag:s24] =	ssyncadd.s32 $0xFFFFC000  }
0x35: {  	[spmem:s14] =	stream.linear.scatter [tilespmem:s23], [sflag:$0x4], $0x4000, $0x38;
	[tilespmem:$0x1FD80] =	vst v63  }
0x36: {  	_ =	swait.ge [sflag:s24], $0x4000  }
0x37: {  	[sflag:s24] =	ssyncset.done $0x0  }
0x38: {  	[sflag:s24] =	ssyncadd.s32 $0xFFFFC000  }
0x39: {  	[spmem:s15] =	stream.linear.scatter [tilespmem:s23], [sflag:$0x4], $0x4000, $0x38;
	[tilespmem:$0x1FD80] =	vst v63  }
0x3a: {  	_ =	swait.ge [sflag:s24], $0x4000  }
0x3b: {  	[sflag:s24] =	ssyncset.done $0x0  }
0x3c: {  	[sflag:s24] =	ssyncadd.s32 $0xFFFFC000  }
0x3d: {  	[spmem:s16] =	stream.linear.scatter [tilespmem:s23], [sflag:$0x4], $0x4000, $0x38;
	[tilespmem:$0x1FD80] =	vst v63  }
0x3e: {  	_ =	swait.ge [sflag:s24], $0x4000  }
0x3f: {  	[sflag:s24] =	ssyncset.done $0x0  }
0x40: {  	[sflag:s24] =	ssyncadd.s32 $0xFFFFC000  }
0x41: {  	[spmem:s9] =	stream.linear.scatter [tilespmem:s23], [sflag:$0x4], $0x3C00, $0x38;
	[tilespmem:$0x1FD80] =	vst v63  }
0x42: {  	_ =	swait.ge [sflag:s24], $0x3C00  }
0x43: {  	[sflag:s24] =	ssyncset.done $0x0  }
0x44: {  	[sflag:s24] =	ssyncadd.s32 $0xFFFFC400  }
0x45: {  	s4 =	simm.s32 $0x0;
	[bflag:$0x0] =	sbarrier.arrive $0xFFFF  }
0x46: {  	[tilespmem:s23], [sflag:$0x1] =	stream.linear.gather [hbm4b:s10+s4], $0x4000, $0x38;
	[tilespmem:$0x1FD80] =	vst v63  }
0x47: {  	s18 =	rddreg [dreg:$0x5]  }
0x48: {  	s1 =	simm.s32 $0x1FC00;
	s5 =	sadd.s32 $0x0, s18  }
0x49: {  	[tilespmem:s1], [sflag:$0x1] =	stream.linear.gather [hbm4b:s11+s4], $0x80, $0x38;
	[tilespmem:$0x1FD80] =	vst v63  }
0x4a: {  	p1 =	sgt.u32 s5, $0x9C3  }
0x4b: {  	s18 =	simm.s32 @!p1 $0x2  }
0x4c: {  	_ =	swait.ge @!p1 [sflag:s18], $0x4000  }
0x4d: {  	[sflag:s18] =	ssyncset.done @!p1 $0x0  }
0x4e: {  	[sflag:s18] =	ssyncadd.s32 @!p1 $0xFFFFC000  }
0x4f: {  	s6 =	sadd.s32 $0x3, s5;
	s20 =	simm.s32 @!p1 $0x17C00;
	_ =	swait.ge @!p1 [sflag:s18], $0x80  }
0x50: {  	s21 =	simm.s32 @!p1 $0x4;
	s22 =	simm.s32 @!p1 $0x80;
	[sflag:s18] =	ssyncset.done @!p1 $0x0  }
0x51: {  	s28 =	simm.s32 @!p1 $0x1FC80;
	p0 =	sgt.u32 s6, $0x9C3;
	[sflag:s18] =	ssyncadd.s32 @!p1 $0xFFFFFF80  }
0x52: {  	[spmem:s2] =	stream.indirect.scatter.add.f32 @!p1 [tilespmem:s20], [sflag:$0x4], $0x80, s28, s22, $0xb8;
	[tilespmem:$0x1FD80] =	vst v63  }
0x53: {  	s18 =	sadd.s32 @!p0 $0xFFFFF000, s0;
	_ =	swait.ge @!p1 [sflag:s21], $0x4000  }
0x54: {  	s22 =	sadd.s32 $0x1, s5;
	s20 =	simm.s32 @!p0 $0x0;
	[sflag:s21] =	ssyncset.done @!p1 $0x0  }
0x55: {  	p3 =	sgt.u32 s22, $0x9C3;
	[sflag:s21] =	ssyncadd.s32 @!p1 $0xFFFFC000;
	s21 =	simm.s32 @!p0 $0x17C00  }
0x56: {  	[tilespmem:s21], [sflag:$0x2] =	stream.linear.gather @!p0 [hbm4b:s18+s20], $0x4000, $0x38;
	[tilespmem:$0x1FD80] =	vst v63  }
0x57: {  	s22 =	simm.s32 @!p3 $0x3;
	s18 =	sadd.s32 @!p0 $0xFFFFFFC0, s19;
	s21 =	simm.s32 @!p0 $0x1FC80  }
0x58: {  	[tilespmem:s21], [sflag:$0x2] =	stream.linear.gather @!p0 [hbm4b:s18+s20], $0x80, $0x38;
	[tilespmem:$0x1FD80] =	vst v63  }
0x59: {  	_ =	swait.ge @!p3 [sflag:s22], $0x4000  }
0x5a: {  	[sflag:s22] =	ssyncset.done @!p3 $0x0  }
0x5b: {  	p1 =	por $0x0, $0x0;
	[sflag:s22] =	ssyncadd.s32 @!p3 $0xFFFFC000  }
0x5c: {  	s18 =	sadd.s32 $0x4, s5;
	s20 =	simm.s32 @!p3 $0x80;
	_ =	swait.ge @!p3 [sflag:s22], $0x80  }
0x5d: {  	s21 =	simm.s32 @!p3 $0x1FD00;
	p0 =	sgt.u32 @!p1 s18, $0x9C3;
	[sflag:s22] =	ssyncset.done @!p3 $0x0  }
0x5e: {  	s18 =	simm.s32 @!p3 $0x1BC00;
	[sflag:s22] =	ssyncadd.s32 @!p3 $0xFFFFFF80;
	s22 =	simm.s32 @!p3 $0x4  }
0x5f: {  	[spmem:s2] =	stream.indirect.scatter.add.f32 @!p3 [tilespmem:s18], [sflag:$0x4], $0x80, s21, s20, $0xb8;
	[tilespmem:$0x1FD80] =	vst v63  }
0x60: {  	s25 =	sadd.s32 $0x2, s5;
	p0 =	por p0, p1;
	_ =	swait.ge @!p3 [sflag:s22], $0x4000  }
0x61: {  	p2 =	sgt.u32 s25, $0x9C3;
	s18 =	sadd.s32 @!p0 $0xFFFFF800, s0;
	[sflag:s22] =	ssyncset.done @!p3 $0x0  }
0x62: {  	s20 =	simm.s32 @!p0 $0x0;
	s21 =	simm.s32 @!p0 $0x1BC00;
	[sflag:s22] =	ssyncadd.s32 @!p3 $0xFFFFC000  }
0x63: {  	[tilespmem:s21], [sflag:$0x3] =	stream.linear.gather @!p0 [hbm4b:s18+s20], $0x4000, $0x38;
	[tilespmem:$0x1FD80] =	vst v63  }
0x64: {  	s22 =	simm.s32 @!p2 $0x1;
	s18 =	simm.s32 @!p0 $0x1FD00;
	s21 =	sadd.s32 @!p0 $0xFFFFFFE0, s19  }
0x65: {  	[tilespmem:s18], [sflag:$0x3] =	stream.linear.gather @!p0 [hbm4b:s21+s20], $0x80, $0x38;
	[tilespmem:$0x1FD80] =	vst v63  }
0x66: {  	_ =	swait.ge @!p2 [sflag:s22], $0x4000  }
0x67: {  	s30 =	simm.s32 $0x3;
	s31 =	simm.s32 $0x6;
	[sflag:s22] =	ssyncset.done @!p2 $0x0  }
0x68: {  	s29 =	sadd.s32 $0x1800, s0;
	s17 =	sadd.s32 $0x5, s5;
	[sflag:s22] =	ssyncadd.s32 @!p2 $0xFFFFC000  }
0x69: {  	p0 =	sgt.u32 @!p1 s17, $0x9C3;
	s17 =	simm.s32 @!p2 $0x13C00;
	_ =	swait.ge @!p2 [sflag:s22], $0x80  }
0x6a: {  	s18 =	simm.s32 @!p2 $0x80;
	s20 =	simm.s32 @!p2 $0x1FC00;
	[sflag:s22] =	ssyncset.done @!p2 $0x0  }
0x6b: {  	s21 =	simm.s32 @!p2 $0x4;
	p3 =	por p0, p1;
	[sflag:s22] =	ssyncadd.s32 @!p2 $0xFFFFFF80  }
0x6c: {  	[spmem:s2] =	stream.indirect.scatter.add.f32 @!p2 [tilespmem:s17], [sflag:$0x4], $0x80, s20, s18, $0xb8;
	[tilespmem:$0x1FD80] =	vst v63  }
0x6d: {  	s28 =	sadd.s32 $0x60, s19;
	s22 =	simm.s32 @!p3 $0x13C00;
	_ =	swait.ge @!p2 [sflag:s21], $0x4000  }
0x6e: {  	s17 =	smov.u32 s0;
	s18 =	smov.u32 s19;
	[sflag:s21] =	ssyncset.done @!p2 $0x0  }
0x6f: {  	s20 =	rddreg [dreg:$0x5];
	[sflag:s21] =	ssyncadd.s32 @!p2 $0xFFFFC000;
	s21 =	simm.s32 @!p3 $0x0  }
.LBB2_4:
0x70: {  	[tilespmem:s22], [sflag:$0x1] =	stream.linear.gather @!p3 [hbm4b:s17+s21], $0x4000, $0x38;
	[tilespmem:$0x1FD80] =	vst v63  }
0x71: {  	s25 =	sadd.s32 s30, s20  }
0x72: {  	p5 =	sgt.u32 s25, $0x9C3  }
0x73: {  	p1 =	seq.s32 s30, $0x4B;
	s30 =	simm.s32 @!p3 $0x1FC00;
	s4 =	simm.s32 @!p5 $0x2  }
0x74: {  	[tilespmem:s30], [sflag:$0x1] =	stream.linear.gather @!p3 [hbm4b:s18+s21], $0x80, $0x38;
	[tilespmem:$0x1FD80] =	vst v63  }
0x75: {  	s6 =	smov.u32 s31;
	s20 =	sadd.s32 $0x4, s25;
	_ =	swait.ge @!p5 [sflag:s4], $0x4000  }
0x76: {  	s1 =	sadd.s32 $0x1, s25;
	p4 =	sgt.u32 @!p1 s20, $0x9C3;
	[sflag:s4] =	ssyncset.done @!p5 $0x0  }
0x77: {  	s20 =	sadd.s32 $0x2, s25;
	s18 =	sadd.s32 $0x5, s25;
	[sflag:s4] =	ssyncadd.s32 @!p5 $0xFFFFC000  }
0x78: {  	s30 =	smov.u32 s6;
	s21 =	simm.s32 @!p5 $0x17C00;
	_ =	swait.ge @!p5 [sflag:s4], $0x80  }
0x79: {  	s22 =	simm.s32 @!p5 $0x4;
	s5 =	simm.s32 @!p5 $0x80;
	[sflag:s4] =	ssyncset.done @!p5 $0x0  }
0x7a: {  	s6 =	simm.s32 @!p5 $0x1FC80;
	s25 =	sadd.s32 $0x3, s25;
	[sflag:s4] =	ssyncadd.s32 @!p5 $0xFFFFFF80  }
0x7b: {  	[spmem:s2] =	stream.indirect.scatter.add.f32 @!p5 [tilespmem:s21], [sflag:$0x4], $0x80, s6, s5, $0xb8;
	[tilespmem:$0x1FD80] =	vst v63  }
0x7c: {  	p0 =	sgt.u32 s25, $0x9C3;
	_ =	swait.ge @!p5 [sflag:s22], $0x4000  }
0x7d: {  	p6 =	sgt.u32 s1, $0x9C3;
	s1 =	sadd.s32 @!p0 $0xFFFFF000, s29;
	[sflag:s22] =	ssyncset.done @!p5 $0x0  }
0x7e: {  	s4 =	simm.s32 @!p0 $0x0;
	s5 =	simm.s32 @!p0 $0x17C00;
	[sflag:s22] =	ssyncadd.s32 @!p5 $0xFFFFC000  }
0x7f: {  	[tilespmem:s5], [sflag:$0x2] =	stream.linear.gather @!p0 [hbm4b:s1+s4], $0x4000, $0x38;
	[tilespmem:$0x1FD80] =	vst v63  }
0x80: {  	s6 =	sadd.s32 @!p0 $0xFFFFFFC0, s28;
	s1 =	simm.s32 @!p0 $0x1FC80;
	s5 =	simm.s32 @!p6 $0x3  }
0x81: {  	[tilespmem:s1], [sflag:$0x2] =	stream.linear.gather @!p0 [hbm4b:s6+s4], $0x80, $0x38;
	[tilespmem:$0x1FD80] =	vst v63  }
0x82: {  	_ =	swait.ge @!p6 [sflag:s5], $0x4000  }
0x83: {  	[sflag:s5] =	ssyncset.done @!p6 $0x0  }
0x84: {  	[sflag:s5] =	ssyncadd.s32 @!p6 $0xFFFFC000  }
0x85: {  	_ =	swait.ge @!p6 [sflag:s5], $0x80  }
0x86: {  	s1 =	simm.s32 @!p6 $0x1BC00;
	s4 =	simm.s32 @!p6 $0x80;
	[sflag:s5] =	ssyncset.done @!p6 $0x0  }
0x87: {  	s6 =	simm.s32 @!p6 $0x1FD00;
	[sflag:s5] =	ssyncadd.s32 @!p6 $0xFFFFFF80;
	s5 =	simm.s32 @!p6 $0x4  }
0x88: {  	[spmem:s2] =	stream.indirect.scatter.add.f32 @!p6 [tilespmem:s1], [sflag:$0x4], $0x80, s6, s4, $0xb8;
	[tilespmem:$0x1FD80] =	vst v63  }
0x89: {  	p0 =	por p4, p1;
	_ =	swait.ge @!p6 [sflag:s5], $0x4000  }
0x8a: {  	p4 =	sgt.u32 s20, $0x9C3;
	s1 =	sadd.s32 @!p0 $0xFFFFF800, s29;
	[sflag:s5] =	ssyncset.done @!p6 $0x0  }
0x8b: {  	s6 =	simm.s32 @!p0 $0x1BC00;
	[sflag:s5] =	ssyncadd.s32 @!p6 $0xFFFFC000;
	s5 =	simm.s32 @!p0 $0x0  }
0x8c: {  	[tilespmem:s6], [sflag:$0x3] =	stream.linear.gather @!p0 [hbm4b:s1+s5], $0x4000, $0x38;
	[tilespmem:$0x1FD80] =	vst v63  }
0x8d: {  	s4 =	simm.s32 @!p0 $0x1FD00;
	s1 =	sadd.s32 @!p0 $0xFFFFFFE0, s28;
	s6 =	simm.s32 @!p4 $0x1  }
0x8e: {  	[tilespmem:s4], [sflag:$0x3] =	stream.linear.gather @!p0 [hbm4b:s1+s5], $0x80, $0x38;
	[tilespmem:$0x1FD80] =	vst v63  }
0x8f: {  	_ =	swait.ge @!p4 [sflag:s6], $0x4000  }
0x90: {  	s17 =	smov.u32 s29;
	s31 =	sadd.s32 $0x3, s31;
	[sflag:s6] =	ssyncset.done @!p4 $0x0  }
0x91: {  	p2 =	sne.s32 s31, $0x4E;
	p3 =	sgt.u32 @!p1 s18, $0x9C3;
	[sflag:s6] =	ssyncadd.s32 @!p4 $0xFFFFC000  }
0x92: {  	p3 =	por p3, p1;
	s1 =	simm.s32 @!p4 $0x13C00;
	_ =	swait.ge @!p4 [sflag:s6], $0x80  }
0x93: {  	s4 =	simm.s32 @!p4 $0x80;
	s5 =	simm.s32 @!p4 $0x1FC00;
	[sflag:s6] =	ssyncset.done @!p4 $0x0  }
.Ltmp1:
0x94: {  	[sflag:s6] =	ssyncadd.s32 @!p4 $0xFFFFFF80;
	s6 =	simm.s32 @!p4 $0x4;
	(pc) =	sbr.rel @p2 .LBB2_4-.Ltmp1, $4  }
0x95: {  	[spmem:s2] =	stream.indirect.scatter.add.f32 @!p4 [tilespmem:s1], [sflag:$0x4], $0x80, s5, s4, $0xb8;
	[tilespmem:$0x1FD80] =	vst v63  }
0x96: {  	s18 =	smov.u32 s28;
	s21 =	simm.s32 @!p3 $0x0;
	_ =	swait.ge @!p4 [sflag:s6], $0x4000  }
0x97: {  	s22 =	simm.s32 @!p3 $0x13C00;
	s29 =	sadd.s32 $0x1800, s29;
	[sflag:s6] =	ssyncset.done @!p4 $0x0  }
0x98: {  	s28 =	sadd.s32 $0x60, s28;
	s20 =	rddreg [dreg:$0x5];
	[sflag:s6] =	ssyncadd.s32 @!p4 $0xFFFFC000  }
0x99: {  	[tilespmem:s22], [sflag:$0x1] =	stream.linear.gather @!p3 [hbm4b:s17+s21], $0x4000, $0x38;
	[tilespmem:$0x1FD80] =	vst v63  }
0x9a: {  	s1 =	sadd.s32 s30, s20  }
0x9b: {  	p1 =	sgt.u32 s1, $0x9C3  }
0x9c: {  	s4 =	simm.s32 @!p3 $0x1FC00;
	s5 =	simm.s32 @!p1 $0x2  }
0x9d: {  	[tilespmem:s4], [sflag:$0x1] =	stream.linear.gather @!p3 [hbm4b:s18+s21], $0x80, $0x38;
	[tilespmem:$0x1FD80] =	vst v63  }
0x9e: {  	_ =	swait.ge @!p1 [sflag:s5], $0x4000  }
0x9f: {  	[sflag:s5] =	ssyncset.done @!p1 $0x0  }
0xa0: {  	[sflag:s5] =	ssyncadd.s32 @!p1 $0xFFFFC000  }
0xa1: {  	s4 =	simm.s32 @!p1 $0x17C00;
	_ =	swait.ge @!p1 [sflag:s5], $0x80  }
0xa2: {  	s6 =	simm.s32 @!p1 $0x4;
	s17 =	simm.s32 @!p1 $0x80;
	[sflag:s5] =	ssyncset.done @!p1 $0x0  }
0xa3: {  	s18 =	simm.s32 @!p1 $0x1FC80;
	s21 =	sadd.s32 $0x3, s1;
	[sflag:s5] =	ssyncadd.s32 @!p1 $0xFFFFFF80  }
0xa4: {  	[spmem:s2] =	stream.indirect.scatter.add.f32 @!p1 [tilespmem:s4], [sflag:$0x4], $0x80, s18, s17, $0xb8;
	[tilespmem:$0x1FD80] =	vst v63  }
0xa5: {  	s22 =	sadd.s32 $0x1, s1;
	p0 =	sgt.u32 s21, $0x9C3;
	_ =	swait.ge @!p1 [sflag:s6], $0x4000  }
0xa6: {  	p2 =	sgt.u32 s22, $0x9C3;
	s5 =	simm.s32 @!p0 $0x0;
	[sflag:s6] =	ssyncset.done @!p1 $0x0  }
0xa7: {  	s4 =	sadd.s32 @!p0 $0xFFFFF000, s29;
	[sflag:s6] =	ssyncadd.s32 @!p1 $0xFFFFC000;
	s6 =	simm.s32 @!p0 $0x17C00  }
0xa8: {  	[tilespmem:s6], [sflag:$0x2] =	stream.linear.gather @!p0 [hbm4b:s4+s5], $0x4000, $0x38;
	[tilespmem:$0x1FD80] =	vst v63  }
0xa9: {  	s17 =	simm.s32 @!p2 $0x3;
	s4 =	sadd.s32 @!p0 $0xFFFFFFC0, s28;
	s6 =	simm.s32 @!p0 $0x1FC80  }
0xaa: {  	[tilespmem:s6], [sflag:$0x2] =	stream.linear.gather @!p0 [hbm4b:s4+s5], $0x80, $0x38;
	[tilespmem:$0x1FD80] =	vst v63  }
0xab: {  	_ =	swait.ge @!p2 [sflag:s17], $0x4000  }
0xac: {  	[sflag:s17] =	ssyncset.done @!p2 $0x0  }
0xad: {  	p1 =	seq.s32 s30, $0x4B;
	[sflag:s17] =	ssyncadd.s32 @!p2 $0xFFFFC000  }
0xae: {  	s4 =	sadd.s32 $0x4, s1;
	s5 =	simm.s32 @!p2 $0x80;
	_ =	swait.ge @!p2 [sflag:s17], $0x80  }
0xaf: {  	s6 =	simm.s32 @!p2 $0x1FD00;
	p0 =	sgt.u32 @!p1 s4, $0x9C3;
	[sflag:s17] =	ssyncset.done @!p2 $0x0  }
0xb0: {  	s4 =	simm.s32 @!p2 $0x1BC00;
	[sflag:s17] =	ssyncadd.s32 @!p2 $0xFFFFFF80;
	s17 =	simm.s32 @!p2 $0x4  }
0xb1: {  	[spmem:s2] =	stream.indirect.scatter.add.f32 @!p2 [tilespmem:s4], [sflag:$0x4], $0x80, s6, s5, $0xb8;
	[tilespmem:$0x1FD80] =	vst v63  }
0xb2: {  	s25 =	sadd.s32 $0x2, s1;
	p0 =	por p0, p1;
	_ =	swait.ge @!p2 [sflag:s17], $0x4000  }
0xb3: {  	p3 =	sgt.u32 s25, $0x9C3;
	s4 =	sadd.s32 @!p0 $0xFFFFF800, s29;
	[sflag:s17] =	ssyncset.done @!p2 $0x0  }
0xb4: {  	s5 =	simm.s32 @!p0 $0x0;
	s6 =	simm.s32 @!p0 $0x1BC00;
	[sflag:s17] =	ssyncadd.s32 @!p2 $0xFFFFC000  }
0xb5: {  	[tilespmem:s6], [sflag:$0x3] =	stream.linear.gather @!p0 [hbm4b:s4+s5], $0x4000, $0x38;
	[tilespmem:$0x1FD80] =	vst v63  }
0xb6: {  	s17 =	simm.s32 @!p3 $0x1;
	s4 =	simm.s32 @!p0 $0x1FD00;
	s6 =	sadd.s32 @!p0 $0xFFFFFFE0, s28  }
0xb7: {  	[tilespmem:s4], [sflag:$0x3] =	stream.linear.gather @!p0 [hbm4b:s6+s5], $0x80, $0x38;
	[tilespmem:$0x1FD80] =	vst v63  }
0xb8: {  	_ =	swait.ge @!p3 [sflag:s17], $0x4000  }
0xb9: {  	[sflag:s17] =	ssyncset.done @!p3 $0x0  }
0xba: {  	[sflag:s17] =	ssyncadd.s32 @!p3 $0xFFFFC000  }
0xbb: {  	s1 =	sadd.s32 $0x5, s1;
	_ =	swait.ge @!p3 [sflag:s17], $0x80  }
0xbc: {  	s4 =	simm.s32 @!p3 $0x13C00;
	s5 =	simm.s32 @!p3 $0x80;
	[sflag:s17] =	ssyncset.done @!p3 $0x0  }
0xbd: {  	s6 =	simm.s32 @!p3 $0x1FC00;
	[sflag:s17] =	ssyncadd.s32 @!p3 $0xFFFFFF80;
	s17 =	simm.s32 @!p3 $0x4  }
0xbe: {  	[spmem:s2] =	stream.indirect.scatter.add.f32 @!p3 [tilespmem:s4], [sflag:$0x4], $0x80, s6, s5, $0xb8;
	[tilespmem:$0x1FD80] =	vst v63  }
0xbf: {  	p0 =	sgt.u32 @!p1 s1, $0x9C3;
	_ =	swait.ge @!p3 [sflag:s17], $0x4000  }
0xc0: {  	p0 =	por p0, p1;
	[sflag:s17] =	ssyncset.done @!p3 $0x0  }
0xc1: {  	s1 =	simm.s32 @!p0 $0x0;
	s4 =	simm.s32 @!p0 $0x13C00;
	[sflag:s17] =	ssyncadd.s32 @!p3 $0xFFFFC000  }
0xc2: {  	[tilespmem:s4], [sflag:$0x1] =	stream.linear.gather @!p0 [hbm4b:s29+s1], $0x4000, $0x38;
	[tilespmem:$0x1FD80] =	vst v63  }
0xc3: {  	s29 =	sld [smem:$0x7FD]  }
0xc4: {  	s4 =	simm.s32 @!p0 $0x1FC00  }
0xc5: {  	[tilespmem:s4], [sflag:$0x1] =	stream.linear.gather @!p0 [hbm4b:s28+s1], $0x80, $0x38;
	[tilespmem:$0x1FD80] =	vst v63  }
0xc6: {  	p0 =	seq.s32 s29, $0x1  }
0xc7: {  	s1 =	simm.s32 @!p0 $0x2  }
0xc8: {  	_ =	swait.ge @!p0 [sflag:s1], $0x4000  }
0xc9: {  	[sflag:s1] =	ssyncset.done @!p0 $0x0  }
0xca: {  	[sflag:s1] =	ssyncadd.s32 @!p0 $0xFFFFC000  }
0xcb: {  	_ =	swait.ge @!p0 [sflag:s1], $0x80  }
0xcc: {  	s4 =	simm.s32 @!p0 $0x1FC80;
	[sflag:s1] =	ssyncset.done @!p0 $0x0  }
0xcd: {  	s5 =	simm.s32 @!p0 $0x17C00;
	[sflag:s1] =	ssyncadd.s32 @!p0 $0xFFFFFF80;
	s1 =	simm.s32 @!p0 $0x80  }
0xce: {  	[spmem:s2] =	stream.indirect.scatter.add.f32 @!p0 [tilespmem:s5], [sflag:$0x4], $0x80, s4, s1, $0xb8;
	[tilespmem:$0x1FD80] =	vst v63  }
0xcf: {  	s1 =	simm.s32 @!p0 $0x4  }
0xd0: {  	s31 =	sshrl.u32 s8, $0x3;
	_ =	swait.ge @!p0 [sflag:s1], $0x4000  }
0xd1: {  	s26 =	sadd.s32 $0x1, s26;
	s30 =	stileid.u32;
	[sflag:s1] =	ssyncset.done @!p0 $0x0  }
0xd2: {  	[sflag:s1] =	ssyncadd.s32 @!p0 $0xFFFFC000;
	s1 =	sshll.u32 s30, $0x6;
	p0 =	sne.s32 s26, s13  }
.Ltmp2:
0xd3: {  	[bflag:$0x0] =	sbarrier.arrive $0xFFFF;
	s1 =	sor.u32 $0x1C04, s1;
	(pc) =	sbr.rel @p0 .LBB2_1-.Ltmp2, $4  }
0xd4: {  	[hbm:s12], [sflag:s1] =	dma.local [spmem:s31], $0x2780  }
0xd5: {  	_ =	swait.ge [sflag:s24], $0x2780  }
0xd6: {  	[sflag:s24] =	ssyncset.done $0x0  }
0xd7: {  	[sflag:s24] =	ssyncadd.s32 $0xFFFFD880  }
0xd8: {  	_ =	sfence.sel $0x180000  }
0xd9: {  	[bflag:$0x0] =	sbarrier.arrive $0xFFFF  }
0xda: {  	_ =	strace $0x90000047  }
0xdb: {  	s0 =	stileid.u32;
	[bflag:$0x2] =	sbarrier.arrive $0xFFFF  }
0xdc: {  	p0 =	sne.s32 s0, $0x0;
	s0 =	rddreg [dreg:$0x4]  }
0xdd: {  	s0 =	sadd.s32 @!p0 $0x100000, s0  }
0xde: {  	[sflag:s0] =	ssyncadd.tile.s32 @!p0 $0x1;
	_ =	shalt  }
.Lfunc_end2:
_tile_overlayer_lowered:
.L_overlay_start_2:
0xdf: {  	(tag) =	ssettag $0x2  }
0xe0: {  	s0 =	rddreg [dreg:$0x0];
	s2 =	stileid.u32  }
0xe1: {  	s1 =	rddreg [dreg:$0x1];
	p0 =	sne.s32 s2, $0x0  }
0xe2: {  	s3 =	rddreg [dreg:$0x2];
	[bflag:$0x3] =	sbarrier.arrive $0xFFFF;
	s2 =	simm.s32 @!p0 $0x1C04  }
0xe3: {  	[timem:s3], [sflag:s2] =	dma.local @!p0 [hbm:s0], s1  }
0xe4: {  	s0 =	simm.s32 @!p0 $0x4  }
0xe5: {  	_ =	swait.ge @!p0 [sflag:s0], s1  }
0xe6: {  	s1 =	ssub.s32 @!p0 $0x0, s1;
	[sflag:s0] =	ssyncset.done @!p0 $0x0  }
0xe7: {  	[sflag:s0] =	ssyncadd.s32 @!p0 s1  }
0xe8: {  	[bflag:$0x3] =	sbarrier.arrive $0xFFFF  }
0xe9: {  	_ =	shalt  }

</sc_bundles>
